<compile_context>
chip_gen: v7x
topology: tpu7x:2x2x1
jax: 0.10.2.dev20260603
libtpu: 0.0.44.dev20260713+nightly
codegen_flags: <defaults>
</compile_context>

<pallas_src>
import functools

import jax
import jax.numpy as jnp
from jax import lax
from jax.experimental import pallas as pl
from jax.experimental.pallas import tpu as pltpu
from jax.experimental.pallas import tpu_sc as plsc

_P, _N, _M = 16, 1024, 2048
_E = 3 * _M
_FC = 512
_EB = 256
_CH = 96

_F32 = jnp.float32
_DEF = jax.lax.Precision.DEFAULT


def _fiota(shape, dim):
    return jax.lax.broadcasted_iota(jnp.int32, shape, dim).astype(_F32)


def _dot(a, b, prec=_DEF):
    return jnp.dot(a, b, preferred_element_type=_F32, precision=prec)


def _dot_nt(a, b, prec=_DEF):
    return jax.lax.dot_general(a, b, (((1,), (1,)), ((), ())),
                               preferred_element_type=_F32, precision=prec)


def _split(v):
    hi = v.astype(jnp.bfloat16).astype(_F32)
    return hi, v - hi


def _dot2(onehot, hi, lo):
    return _dot(onehot, hi) + _dot(onehot, lo)


def _to_col(row):
    k = row.shape[1]
    ident = (_fiota((k, 1), 0) == _fiota((1, k), 1)).astype(_F32)
    return _dot_nt(ident, row)



def _ld(ref, e, ch):
    return ref[e, ch // 8, pl.ds((ch % 8) * 16, 16)]


def _sc_d_body(tab_hbm, ii_hbm, jj_hbm, d_hbm,
               ii_v, jj_v, jrow_v, irow_v, out_v, sem):
    cid = lax.axis_index("c")
    sid = lax.axis_index("s")
    info = plsc.get_sparse_core_info()
    nw = info.num_cores * info.num_subcores
    wid = sid * info.num_cores + cid
    per_w = _E // nw
    nch = per_w // _CH

    def chunk(c, carry):
        base = wid * per_w + c * _CH
        pltpu.sync_copy(ii_hbm.at[pl.ds(base, _CH)], ii_v)
        pltpu.sync_copy(jj_hbm.at[pl.ds(base, _CH)], jj_v)
        cpj = pltpu.make_async_copy(tab_hbm.at[jj_v], jrow_v, sem)
        cpi = pltpu.make_async_copy(tab_hbm.at[ii_v], irow_v, sem)
        cpj.start()
        cpi.start()
        cpj.wait()
        cpi.wait()

        def edge(e, carry2):
            xs = [_ld(jrow_v, e, m) for m in range(3)]
            acc = None
            for cc in range(3):
                dc = _ld(jrow_v, e, 3 + cc)
                for m in range(3):
                    ch = 6 + 3 * cc + m
                    dr = _ld(jrow_v, e, ch) - _ld(irow_v, e, ch)
                    dc = dc + dr * xs[m]
                acc = dc * dc if acc is None else acc + dc * dc
            out_v[e] = acc
            return carry2

        lax.fori_loop(0, _CH, edge, 0)
        pltpu.sync_copy(out_v, d_hbm.at[pl.ds(base, _CH)])
        return carry

    lax.fori_loop(0, nch, chunk, 0)


def _sc_d(tab, ii, jj):
    mesh = plsc.VectorSubcoreMesh(core_axis_name="c", subcore_axis_name="s")
    k = functools.partial(
        pl.kernel, mesh=mesh,
        out_type=jax.ShapeDtypeStruct((_E, _P), _F32),
        scratch_types=[
            pltpu.VMEM((_CH,), jnp.int32),
            pltpu.VMEM((_CH,), jnp.int32),
            pltpu.VMEM((_CH, 2, 128), _F32),
            pltpu.VMEM((_CH, 2, 128), _F32),
            pltpu.VMEM((_CH, _P), _F32),
            pltpu.SemaphoreType.DMA,
        ],
    )(_sc_d_body)
    return k(tab, ii, jj)



def _body(x2_ref, r2_ref, t2_ref, f_ref, mi_ref, si_ref, hv_ref, d_in_ref,
          out_ref, f0_ref, f1_ref, f2_ref, cot_ref):
    x2 = x2_ref[...]
    r2 = r2_ref[...]
    t2 = t2_ref[...]
    f = f_ref[...]
    hv = hv_ref[...]
    iota_n = _fiota((1, _N), 1)

    tr_blocks = []
    for c in range(3):
        acc = t2[:, c * 16:(c + 1) * 16]
        for m in range(3):
            acc = acc + r2[:, ((3 * c + m) * 16):((3 * c + m + 1) * 16)] * x2[:, m * 16:(m + 1) * 16]
        tr_blocks.append(acc)
    tr = jnp.concatenate(tr_blocks, axis=1)

    f0 = f[0:1, :]
    f1 = f[1:2, :]
    f2 = f[2:3, :]
    i_row = jnp.concatenate([f0, f1, f0], axis=1)
    j_row = jnp.concatenate([f1, f2, f2], axis=1)
    key_row = i_row * float(_N) + j_row
    for r in range(_M // _FC):
        f0_ref[r:r + 1, :] = f0[:, r * _FC:(r + 1) * _FC]
        f1_ref[r:r + 1, :] = f1[:, r * _FC:(r + 1) * _FC]
        f2_ref[r:r + 1, :] = f2[:, r * _FC:(r + 1) * _FC]

    def _cot_step(c, carry):
        v = []
        for fr in (f0_ref, f1_ref, f2_ref):
            idx = _to_col(fr[pl.ds(c, 1), :])
            oh = (idx == iota_n).astype(_F32)
            v.append(_dot(oh, x2))

        def _sidelen(a, b):
            s = None
            for cc in range(3):
                dd = a[:, cc * 16:(cc + 1) * 16] - b[:, cc * 16:(cc + 1) * 16]
                s = dd * dd if s is None else s + dd * dd
            return jnp.sqrt(s)

        la = _sidelen(v[1], v[2])
        lb = _sidelen(v[0], v[2])
        lc = _sidelen(v[0], v[1])
        s = 0.5 * (la + lb + lc)
        area = jnp.sqrt(jnp.maximum(s * (s - la) * (s - lb) * (s - lc), 1e-12))
        a2, b2, c2 = la * la, lb * lb, lc * lc
        cot_ref[pl.ds(c * _FC, _FC), :] = (b2 + c2 - a2) / area * 0.25
        cot_ref[pl.ds(_M + c * _FC, _FC), :] = (a2 + c2 - b2) / area * 0.25
        cot_ref[pl.ds(2 * _M + c * _FC, _FC), :] = (a2 + b2 - c2) / area * 0.25
        return carry

    jax.lax.fori_loop(0, _M // _FC, _cot_step, 0)

    d_hi, d_lo = _split(d_in_ref[...])
    iota_e = _fiota((1, _E), 1)
    ones_e = jnp.full((1, _E), 1.0, dtype=_F32)
    u_row = (jnp.minimum(i_row, j_row) * float(_N)
             + jnp.maximum(i_row, j_row))

    def _arap_step(b, acc):
        erow = b.astype(_F32) * float(_EB) + _fiota((_EB, 1), 0)
        sel = (iota_e == erow).astype(_F32)
        ib = _dot_nt(sel, i_row)
        jb = _dot_nt(sel, j_row)
        kb = ib * float(_N) + jb
        ub = (jnp.minimum(ib, jb) * float(_N) + jnp.maximum(ib, jb))
        eqf = (kb == key_row)
        equ = (ub == u_row).astype(_F32)
        later = jnp.logical_and(eqf, iota_e > erow).astype(_F32)
        cnt_after = _dot_nt(later, ones_e)
        mask_last = (cnt_after == 0.0).astype(_F32)
        dsum = _dot2(equ, d_hi, d_lo)
        selfb = 1.0 + (ib == jb).astype(_F32)
        cot_b = cot_ref[pl.ds(b * _EB, _EB), :]
        contrib = jnp.sum(mask_last * selfb * cot_b * dsum, axis=0)
        return acc + contrib.reshape(1, _P)

    arap_acc = jax.lax.fori_loop(0, _E // _EB, _arap_step,
                                 jnp.zeros((1, _P), dtype=_F32))
    arap = jnp.sum(arap_acc) / float(_P)

    iota_p = _fiota((1, _P), 1)

    def _handle_loss(hidx_ref):
        pcol = _to_col(hidx_ref[0:1, :])
        ncol = _to_col(hidx_ref[1:2, :])
        pm = (pcol == iota_p).astype(_F32)
        oh = (ncol == iota_n).astype(_F32)
        trh, trl = _split(tr)
        tg = _dot2(oh, trh, trl)
        sq = None
        for c in range(3):
            pos = jnp.sum(pm * tg[:, c * 16:(c + 1) * 16], axis=1)
            hv_c = jnp.sum(pm * hv[c, :].reshape(1, _P), axis=1)
            e = pos - hv_c
            sq = e * e if sq is None else sq + e * e
        return jnp.sum(sq) / (64.0 * 3.0)

    moving_loss = _handle_loss(mi_ref)
    static_loss = _handle_loss(si_ref)

    oi = _fiota((1, 128), 1)
    out_ref[...] = (jnp.where(oi == 0.0, arap, 0.0)
                    + jnp.where(oi == 1.0, moving_loss, 0.0)
                    + jnp.where(oi == 2.0, static_loss, 0.0))


def kernel(patch_verts, faces, rotations, translations, moving_idx, static_idx,
           handle_value, alternation):
    del alternation
    tab = jnp.concatenate(
        [jnp.transpose(patch_verts, (1, 2, 0)),
         jnp.transpose(translations, (1, 2, 0)),
         jnp.transpose(rotations, (1, 2, 3, 0)).reshape(_N, 9, _P),
         jnp.zeros((_N, 1, _P), _F32)], axis=1).reshape(_N, 2, 128)
    ii = jnp.concatenate([faces[:, 0], faces[:, 1], faces[:, 0]], axis=0)
    jj = jnp.concatenate([faces[:, 1], faces[:, 2], faces[:, 2]], axis=0)
    d = _sc_d(tab, ii, jj)

    x2 = jnp.transpose(patch_verts, (1, 2, 0)).reshape(_N, 3 * _P)
    r2 = jnp.transpose(rotations, (1, 2, 3, 0)).reshape(_N, 9 * _P)
    t2 = jnp.transpose(translations, (1, 2, 0)).reshape(_N, 3 * _P)
    f = faces.T.astype(_F32)
    mi = moving_idx.T.astype(_F32)
    si = static_idx.T.astype(_F32)
    hv = handle_value.T
    out = pl.pallas_call(
        _body,
        out_shape=jax.ShapeDtypeStruct((1, 128), _F32),
        scratch_shapes=[
            pltpu.VMEM((_M // _FC, _FC), _F32),
            pltpu.VMEM((_M // _FC, _FC), _F32),
            pltpu.VMEM((_M // _FC, _FC), _F32),
            pltpu.VMEM((_E, _P), _F32),
        ],
    )(x2, r2, t2, f, mi, si, hv, d)
    return out[0, :3]

# --- scband reference (transcript-rebuilt; emitter-appended) ---
"""Pipeline reference for scband-deformation-loss-80547816669322 (READ-ONLY COPY).

The authoritative reference and input builder live on the scoring server;
editing this copy changes nothing except your own understanding.
"""

import jax, jax.numpy as jnp
import numpy as np


def _edge_idx(faces):
    return jnp.concatenate([faces[:, :2], faces[:, 1:], faces[:, ::2]], axis=0).T


def _cot_weights(patch_verts, faces):
    V = patch_verts.shape[1]
    face_verts = patch_verts[:, faces, :]
    v0 = face_verts[..., 0, :]
    v1 = face_verts[..., 1, :]
    v2 = face_verts[..., 2, :]
    idx = _edge_idx(faces)
    A = jnp.linalg.norm(v1 - v2, axis=-1)
    B = jnp.linalg.norm(v0 - v2, axis=-1)
    C = jnp.linalg.norm(v0 - v1, axis=-1)
    s = 0.5 * (A + B + C)
    area = jnp.sqrt(jnp.maximum(s * (s - A) * (s - B) * (s - C), 1e-12))
    A2, B2, C2 = A * A, B * B, C * C
    cota = (B2 + C2 - A2) / area
    cotb = (A2 + C2 - B2) / area
    cotc = (A2 + B2 - C2) / area
    cot = jnp.concatenate([cota, cotb, cotc], axis=1) / 4.0
    w = jnp.zeros((patch_verts.shape[0], V, V), dtype=patch_verts.dtype)
    w = w.at[:, idx[0, :], idx[1, :]].set(cot)
    return w + jnp.swapaxes(w, -1, -2)


def _arap(patch_verts, faces, rotations, translations, alternation):
    w = _cot_weights(patch_verts, faces)
    idx = _edge_idx(faces)
    w_per_edge = w[:, idx[0, :], idx[1, :]]
    transformed = jnp.einsum('pnij,pnj->pni', rotations, patch_verts) + translations
    rot_verts_edges = transformed[:, idx[0, :], :] - transformed[:, idx[1, :], :]
    edges_source = patch_verts[:, idx[0, :], :] - patch_verts[:, idx[1, :], :]
    rot_edges = jnp.einsum('peij,pej->pei', rotations[:, idx[0, :], :, :], edges_source) + translations[:, idx[0, :], :]
    is_zero = jnp.asarray(alternation) == 0
    rot_edges = jnp.where(is_zero, jax.lax.stop_gradient(rot_edges), rot_edges)
    rot_verts_edges = jnp.where(is_zero, rot_verts_edges, jax.lax.stop_gradient(rot_verts_edges))
    return jnp.mean(jnp.sum(w_per_edge * jnp.sum((rot_edges - rot_verts_edges) ** 2, axis=-1), axis=-1), axis=0)


def setup_inputs(seed: int = 0):
    P, N, M, H1, H2 = 16, 1024, 2048, 64, 64
    key = jax.random.key(seed)
    ks = jax.random.split(key, 7)
    return {
        'patch_verts': jax.random.normal(ks[0], (P, N, 3), dtype=jnp.float32),
        'faces': jax.random.randint(ks[1], (M, 3), 0, N, dtype=jnp.int32),
        'rotations': jax.random.normal(ks[2], (P, N, 3, 3), dtype=jnp.float32),
        'translations': jax.random.normal(ks[3], (P, N, 3), dtype=jnp.float32),
        'moving_idx': jax.random.randint(ks[4], (H1, 2), 0, 16, dtype=jnp.int32),
        'static_idx': jax.random.randint(ks[5], (H2, 2), 0, 16, dtype=jnp.int32),
        'handle_value': jax.random.normal(ks[6], (P, 3), dtype=jnp.float32),
        'alternation': 0,
    }


def reference(patch_verts, faces, rotations, translations, moving_idx, static_idx, handle_value, alternation):
    arap_w, moving_w, static_w = 1.0, 1.0, 1.0
    arap = _arap(patch_verts, faces, rotations, translations, alternation)
    transformed = jnp.einsum('pnij,pnj->pni', rotations, patch_verts) + translations
    moving_pos = transformed[moving_idx[:, 0], moving_idx[:, 1], :]
    static_pos = transformed[static_idx[:, 0], static_idx[:, 1], :]
    moving_loss = jnp.mean((moving_pos - handle_value[moving_idx[:, 0], :]) ** 2)
    static_loss = jnp.mean((static_pos - handle_value[static_idx[:, 0], :]) ** 2)
    return jnp.stack([arap * arap_w, moving_loss * moving_w, static_loss * static_w])

if __name__ == "__main__":
    import jax
    _d = setup_inputs()
    print(jax.jit(kernel)(*tuple(_d.values())))

</pallas_src>

<mosaic_0001>
#map = affine_map<(d0, d1) -> (0, 0, 0)>
#map1 = affine_map<(d0, d1) -> (0)>
#map2 = affine_map<(d0, d1) -> (0, 0)>
module attributes {stable_mosaic.version = 14 : i64} {
  func.func @_sc_d_body(%arg0: i32, %arg1: i32, %arg2: memref<1024x2x128xf32, #tpu.memory_space<hbm>>, %arg3: memref<6144xi32, #tpu.memory_space<hbm>>, %arg4: memref<6144xi32, #tpu.memory_space<hbm>>, %arg5: memref<6144x16xf32, #tpu.memory_space<hbm>>, %arg6: memref<96xi32, #tpu.memory_space<vmem>>, %arg7: memref<96xi32, #tpu.memory_space<vmem>>, %arg8: memref<96x2x128xf32, #tpu.memory_space<vmem>>, %arg9: memref<96x2x128xf32, #tpu.memory_space<vmem>>, %arg10: memref<96x16xf32, #tpu.memory_space<vmem>>, %arg11: memref<!tpu.dma_semaphore, #tpu.memory_space<semaphore_mem>>) attributes {dimension_semantics = [#tpu.dimension_semantics<core_parallel>, #tpu.dimension_semantics<subcore_parallel>], iteration_bounds = array<i64: 2, 16>, scalar_prefetch = 0 : i64, scratch_operands = 6 : i64, tpu.core_type = #tpu.core_type<sc_vector_subcore>, window_params = [{transform_indices = #map}, {transform_indices = #map1}, {transform_indices = #map1}, {transform_indices = #map2}]} {
    %mul3A = arith.constant 2 : i32
    %mul3A_0 = arith.muli %arg1, %mul3A : i32
    %add3A = arith.addi %mul3A_0, %arg0 : i32
    %scan3A = arith.constant 0 : i32
    %scan3A_1 = arith.constant 0 : i32
    %scan3A_2 = arith.constant 2 : i32
    %scan3A_3 = arith.addi %scan3A_1, %scan3A_2 : i32
    %scan3A_4 = arith.constant 1 : i32
    scf.for %scan3A_6 = %scan3A_1 to %scan3A_3 step %scan3A_4  : i32 {
      %mul3A_7 = arith.constant 192 : i32
      %mul3A_8 = arith.muli %add3A, %mul3A_7 : i32
      %mul3A_9 = arith.constant 96 : i32
      %mul3A_10 = arith.muli %scan3A_6, %mul3A_9 : i32
      %add3A_11 = arith.addi %mul3A_8, %mul3A_10 : i32
      "tpu.region"() ({
        %run_scoped3A = tpu.sem_alloc : memref<!tpu.dma_semaphore, #tpu.memory_space<semaphore_mem>>
        %dma_start3A_32 = tpu.memref_slice %arg3[%add3A_11] : memref<6144xi32, #tpu.memory_space<hbm>> -> memref<96xi32, #tpu.memory_space<hbm>>
        %dma_start3A_33 = tpu.memref_slice %arg3[%add3A_11] : memref<6144xi32, #tpu.memory_space<hbm>> -> memref<96xi32, #tpu.memory_space<hbm>>
        tpu.enqueue_dma source(%dma_start3A_33 : memref<96xi32, #tpu.memory_space<hbm>>) target(%arg6 : memref<96xi32, #tpu.memory_space<vmem>>) target_semaphore(%run_scoped3A : memref<!tpu.dma_semaphore, #tpu.memory_space<semaphore_mem>>)
        %dma_wait3A_34 = tpu.memref_slice %arg3[%add3A_11] : memref<6144xi32, #tpu.memory_space<hbm>> -> memref<96xi32, #tpu.memory_space<hbm>>
        %dma_wait3A_35 = tpu.memref_slice %arg3[%add3A_11] : memref<6144xi32, #tpu.memory_space<hbm>> -> memref<96xi32, #tpu.memory_space<hbm>>
        tpu.wait_dma2 semaphore(%run_scoped3A : memref<!tpu.dma_semaphore, #tpu.memory_space<semaphore_mem>>) src(%dma_wait3A_35 : memref<96xi32, #tpu.memory_space<hbm>>) dst(%arg6 : memref<96xi32, #tpu.memory_space<vmem>>)
        tpu.yield
      }) : () -> ()
      "tpu.region"() ({
        %run_scoped3A = tpu.sem_alloc : memref<!tpu.dma_semaphore, #tpu.memory_space<semaphore_mem>>
        %dma_start3A_32 = tpu.memref_slice %arg4[%add3A_11] : memref<6144xi32, #tpu.memory_space<hbm>> -> memref<96xi32, #tpu.memory_space<hbm>>
        %dma_start3A_33 = tpu.memref_slice %arg4[%add3A_11] : memref<6144xi32, #tpu.memory_space<hbm>> -> memref<96xi32, #tpu.memory_space<hbm>>
        tpu.enqueue_dma source(%dma_start3A_33 : memref<96xi32, #tpu.memory_space<hbm>>) target(%arg7 : memref<96xi32, #tpu.memory_space<vmem>>) target_semaphore(%run_scoped3A : memref<!tpu.dma_semaphore, #tpu.memory_space<semaphore_mem>>)
        %dma_wait3A_34 = tpu.memref_slice %arg4[%add3A_11] : memref<6144xi32, #tpu.memory_space<hbm>> -> memref<96xi32, #tpu.memory_space<hbm>>
        %dma_wait3A_35 = tpu.memref_slice %arg4[%add3A_11] : memref<6144xi32, #tpu.memory_space<hbm>> -> memref<96xi32, #tpu.memory_space<hbm>>
        tpu.wait_dma2 semaphore(%run_scoped3A : memref<!tpu.dma_semaphore, #tpu.memory_space<semaphore_mem>>) src(%dma_wait3A_35 : memref<96xi32, #tpu.memory_space<hbm>>) dst(%arg7 : memref<96xi32, #tpu.memory_space<vmem>>)
        tpu.yield
      }) : () -> ()
      %dma_start3A = arith.constant 0 : i32
      %dma_start3A_12 = arith.constant 0 : i32
      %dma_start3A_13 = arith.constant 0 : i32
      %dma_start3A_14 = tpu.memref_slice %arg2[%dma_start3A, %dma_start3A_12, %dma_start3A_13] : memref<1024x2x128xf32, #tpu.memory_space<hbm>> -> memref<1024x2x128xf32, #tpu.memory_space<hbm>>
      tpu.enqueue_indirect_dma source(%dma_start3A_14 : memref<1024x2x128xf32, #tpu.memory_space<hbm>>) target(%arg8 : memref<96x2x128xf32, #tpu.memory_space<vmem>>) offsets(%arg7 : memref<96xi32, #tpu.memory_space<vmem>>) semaphore(%arg11 : memref<!tpu.dma_semaphore, #tpu.memory_space<semaphore_mem>>)
      %dma_start3A_15 = arith.constant 0 : i32
      %dma_start3A_16 = arith.constant 0 : i32
      %dma_start3A_17 = arith.constant 0 : i32
      %dma_start3A_18 = tpu.memref_slice %arg2[%dma_start3A_15, %dma_start3A_16, %dma_start3A_17] : memref<1024x2x128xf32, #tpu.memory_space<hbm>> -> memref<1024x2x128xf32, #tpu.memory_space<hbm>>
      tpu.enqueue_indirect_dma source(%dma_start3A_18 : memref<1024x2x128xf32, #tpu.memory_space<hbm>>) target(%arg9 : memref<96x2x128xf32, #tpu.memory_space<vmem>>) offsets(%arg6 : memref<96xi32, #tpu.memory_space<vmem>>) semaphore(%arg11 : memref<!tpu.dma_semaphore, #tpu.memory_space<semaphore_mem>>)
      %dma_wait3A = arith.constant 0 : i32
      %dma_wait3A_19 = arith.constant 0 : i32
      %dma_wait3A_20 = arith.constant 0 : i32
      %dma_wait3A_21 = tpu.memref_slice %arg2[%dma_wait3A, %dma_wait3A_19, %dma_wait3A_20] : memref<1024x2x128xf32, #tpu.memory_space<hbm>> -> memref<1024x2x128xf32, #tpu.memory_space<hbm>>
      tpu.wait_indirect_dma semaphore(%arg11 : memref<!tpu.dma_semaphore, #tpu.memory_space<semaphore_mem>>) src(%dma_wait3A_21 : memref<1024x2x128xf32, #tpu.memory_space<hbm>>) dst(%arg8 : memref<96x2x128xf32, #tpu.memory_space<vmem>>)
      %dma_wait3A_22 = arith.constant 0 : i32
      %dma_wait3A_23 = arith.constant 0 : i32
      %dma_wait3A_24 = arith.constant 0 : i32
      %dma_wait3A_25 = tpu.memref_slice %arg2[%dma_wait3A_22, %dma_wait3A_23, %dma_wait3A_24] : memref<1024x2x128xf32, #tpu.memory_space<hbm>> -> memref<1024x2x128xf32, #tpu.memory_space<hbm>>
      tpu.wait_indirect_dma semaphore(%arg11 : memref<!tpu.dma_semaphore, #tpu.memory_space<semaphore_mem>>) src(%dma_wait3A_25 : memref<1024x2x128xf32, #tpu.memory_space<hbm>>) dst(%arg9 : memref<96x2x128xf32, #tpu.memory_space<vmem>>)
      %scan3A_26 = arith.constant 0 : i32
      %scan3A_27 = arith.constant 0 : i32
      %scan3A_28 = arith.constant 96 : i32
      %scan3A_29 = arith.addi %scan3A_27, %scan3A_28 : i32
      %scan3A_30 = arith.constant 1 : i32
      scf.for %scan3A_32 = %scan3A_27 to %scan3A_29 step %scan3A_30  : i32 {
        %get3A = arith.constant 0 : i32
        %get3A_33 = arith.index_cast %scan3A_32 : i32 to index
        %get3A_34 = arith.index_cast %get3A : i32 to index
        %get3A_35 = arith.constant 0 : index
        %get3A_36 = tpu.vector_load %arg8[%get3A_33, %get3A_34, %get3A_35] {strides = array<i32>} : memref<96x2x128xf32, #tpu.memory_space<vmem>>, vector<1x1x16xf32>,
        %get3A_37 = vector.shape_cast %get3A_36 : vector<1x1x16xf32> to vector<16xf32>
        %get3A_38 = arith.constant 0 : i32
        %get3A_39 = arith.index_cast %scan3A_32 : i32 to index
        %get3A_40 = arith.index_cast %get3A_38 : i32 to index
        %get3A_41 = arith.constant 16 : index
        %get3A_42 = tpu.vector_load %arg8[%get3A_39, %get3A_40, %get3A_41] {strides = array<i32>} : memref<96x2x128xf32, #tpu.memory_space<vmem>>, vector<1x1x16xf32>,
        %get3A_43 = vector.shape_cast %get3A_42 : vector<1x1x16xf32> to vector<16xf32>
        %get3A_44 = arith.constant 0 : i32
        %get3A_45 = arith.index_cast %scan3A_32 : i32 to index
        %get3A_46 = arith.index_cast %get3A_44 : i32 to index
        %get3A_47 = arith.constant 32 : index
        %get3A_48 = tpu.vector_load %arg8[%get3A_45, %get3A_46, %get3A_47] {strides = array<i32>} : memref<96x2x128xf32, #tpu.memory_space<vmem>>, vector<1x1x16xf32>,
        %get3A_49 = vector.shape_cast %get3A_48 : vector<1x1x16xf32> to vector<16xf32>
        %get3A_50 = arith.constant 0 : i32
        %get3A_51 = arith.index_cast %scan3A_32 : i32 to index
        %get3A_52 = arith.index_cast %get3A_50 : i32 to index
        %get3A_53 = arith.constant 48 : index
        %get3A_54 = tpu.vector_load %arg8[%get3A_51, %get3A_52, %get3A_53] {strides = array<i32>} : memref<96x2x128xf32, #tpu.memory_space<vmem>>, vector<1x1x16xf32>,
        %get3A_55 = vector.shape_cast %get3A_54 : vector<1x1x16xf32> to vector<16xf32>
        %get3A_56 = arith.constant 0 : i32
        %get3A_57 = arith.index_cast %scan3A_32 : i32 to index
        %get3A_58 = arith.index_cast %get3A_56 : i32 to index
        %get3A_59 = arith.constant 96 : index
        %get3A_60 = tpu.vector_load %arg8[%get3A_57, %get3A_58, %get3A_59] {strides = array<i32>} : memref<96x2x128xf32, #tpu.memory_space<vmem>>, vector<1x1x16xf32>,
        %get3A_61 = vector.shape_cast %get3A_60 : vector<1x1x16xf32> to vector<16xf32>
        %get3A_62 = arith.constant 0 : i32
        %get3A_63 = arith.index_cast %scan3A_32 : i32 to index
        %get3A_64 = arith.index_cast %get3A_62 : i32 to index
        %get3A_65 = arith.constant 96 : index
        %get3A_66 = tpu.vector_load %arg9[%get3A_63, %get3A_64, %get3A_65] {strides = array<i32>} : memref<96x2x128xf32, #tpu.memory_space<vmem>>, vector<1x1x16xf32>,
        %get3A_67 = vector.shape_cast %get3A_66 : vector<1x1x16xf32> to vector<16xf32>
        %sub3A = arith.subf %get3A_61, %get3A_67 : vector<16xf32>
        %mul3A_68 = arith.mulf %sub3A, %get3A_37 : vector<16xf32>
        %add3A_69 = arith.addf %get3A_55, %mul3A_68 : vector<16xf32>
        %get3A_70 = arith.constant 0 : i32
        %get3A_71 = arith.index_cast %scan3A_32 : i32 to index
        %get3A_72 = arith.index_cast %get3A_70 : i32 to index
        %get3A_73 = arith.constant 112 : index
        %get3A_74 = tpu.vector_load %arg8[%get3A_71, %get3A_72, %get3A_73] {strides = array<i32>} : memref<96x2x128xf32, #tpu.memory_space<vmem>>, vector<1x1x16xf32>,
        %get3A_75 = vector.shape_cast %get3A_74 : vector<1x1x16xf32> to vector<16xf32>
        %get3A_76 = arith.constant 0 : i32
        %get3A_77 = arith.index_cast %scan3A_32 : i32 to index
        %get3A_78 = arith.index_cast %get3A_76 : i32 to index
        %get3A_79 = arith.constant 112 : index
        %get3A_80 = tpu.vector_load %arg9[%get3A_77, %get3A_78, %get3A_79] {strides = array<i32>} : memref<96x2x128xf32, #tpu.memory_space<vmem>>, vector<1x1x16xf32>,
        %get3A_81 = vector.shape_cast %get3A_80 : vector<1x1x16xf32> to vector<16xf32>
        %sub3A_82 = arith.subf %get3A_75, %get3A_81 : vector<16xf32>
        %mul3A_83 = arith.mulf %sub3A_82, %get3A_43 : vector<16xf32>
        %add3A_84 = arith.addf %add3A_69, %mul3A_83 : vector<16xf32>
        %get3A_85 = arith.constant 1 : i32
        %get3A_86 = arith.index_cast %scan3A_32 : i32 to index
        %get3A_87 = arith.index_cast %get3A_85 : i32 to index
        %get3A_88 = arith.constant 0 : index
        %get3A_89 = tpu.vector_load %arg8[%get3A_86, %get3A_87, %get3A_88] {strides = array<i32>} : memref<96x2x128xf32, #tpu.memory_space<vmem>>, vector<1x1x16xf32>,
        %get3A_90 = vector.shape_cast %get3A_89 : vector<1x1x16xf32> to vector<16xf32>
        %get3A_91 = arith.constant 1 : i32
        %get3A_92 = arith.index_cast %scan3A_32 : i32 to index
        %get3A_93 = arith.index_cast %get3A_91 : i32 to index
        %get3A_94 = arith.constant 0 : index
        %get3A_95 = tpu.vector_load %arg9[%get3A_92, %get3A_93, %get3A_94] {strides = array<i32>} : memref<96x2x128xf32, #tpu.memory_space<vmem>>, vector<1x1x16xf32>,
        %get3A_96 = vector.shape_cast %get3A_95 : vector<1x1x16xf32> to vector<16xf32>
        %sub3A_97 = arith.subf %get3A_90, %get3A_96 : vector<16xf32>
        %mul3A_98 = arith.mulf %sub3A_97, %get3A_49 : vector<16xf32>
        %add3A_99 = arith.addf %add3A_84, %mul3A_98 : vector<16xf32>
        %mul3A_100 = arith.mulf %add3A_99, %add3A_99 : vector<16xf32>
        %get3A_101 = arith.constant 0 : i32
        %get3A_102 = arith.index_cast %scan3A_32 : i32 to index
        %get3A_103 = arith.index_cast %get3A_101 : i32 to index
        %get3A_104 = arith.constant 64 : index
        %get3A_105 = tpu.vector_load %arg8[%get3A_102, %get3A_103, %get3A_104] {strides = array<i32>} : memref<96x2x128xf32, #tpu.memory_space<vmem>>, vector<1x1x16xf32>,
        %get3A_106 = vector.shape_cast %get3A_105 : vector<1x1x16xf32> to vector<16xf32>
        %get3A_107 = arith.constant 1 : i32
        %get3A_108 = arith.index_cast %scan3A_32 : i32 to index
        %get3A_109 = arith.index_cast %get3A_107 : i32 to index
        %get3A_110 = arith.constant 16 : index
        %get3A_111 = tpu.vector_load %arg8[%get3A_108, %get3A_109, %get3A_110] {strides = array<i32>} : memref<96x2x128xf32, #tpu.memory_space<vmem>>, vector<1x1x16xf32>,
        %get3A_112 = vector.shape_cast %get3A_111 : vector<1x1x16xf32> to vector<16xf32>
        %get3A_113 = arith.constant 1 : i32
        %get3A_114 = arith.index_cast %scan3A_32 : i32 to index
        %get3A_115 = arith.index_cast %get3A_113 : i32 to index
        %get3A_116 = arith.constant 16 : index
        %get3A_117 = tpu.vector_load %arg9[%get3A_114, %get3A_115, %get3A_116] {strides = array<i32>} : memref<96x2x128xf32, #tpu.memory_space<vmem>>, vector<1x1x16xf32>,
        %get3A_118 = vector.shape_cast %get3A_117 : vector<1x1x16xf32> to vector<16xf32>
        %sub3A_119 = arith.subf %get3A_112, %get3A_118 : vector<16xf32>
        %mul3A_120 = arith.mulf %sub3A_119, %get3A_37 : vector<16xf32>
        %add3A_121 = arith.addf %get3A_106, %mul3A_120 : vector<16xf32>
        %get3A_122 = arith.constant 1 : i32
        %get3A_123 = arith.index_cast %scan3A_32 : i32 to index
        %get3A_124 = arith.index_cast %get3A_122 : i32 to index
        %get3A_125 = arith.constant 32 : index
        %get3A_126 = tpu.vector_load %arg8[%get3A_123, %get3A_124, %get3A_125] {strides = array<i32>} : memref<96x2x128xf32, #tpu.memory_space<vmem>>, vector<1x1x16xf32>,
        %get3A_127 = vector.shape_cast %get3A_126 : vector<1x1x16xf32> to vector<16xf32>
        %get3A_128 = arith.constant 1 : i32
        %get3A_129 = arith.index_cast %scan3A_32 : i32 to index
        %get3A_130 = arith.index_cast %get3A_128 : i32 to index
        %get3A_131 = arith.constant 32 : index
        %get3A_132 = tpu.vector_load %arg9[%get3A_129, %get3A_130, %get3A_131] {strides = array<i32>} : memref<96x2x128xf32, #tpu.memory_space<vmem>>, vector<1x1x16xf32>,
        %get3A_133 = vector.shape_cast %get3A_132 : vector<1x1x16xf32> to vector<16xf32>
        %sub3A_134 = arith.subf %get3A_127, %get3A_133 : vector<16xf32>
        %mul3A_135 = arith.mulf %sub3A_134, %get3A_43 : vector<16xf32>
        %add3A_136 = arith.addf %add3A_121, %mul3A_135 : vector<16xf32>
        %get3A_137 = arith.constant 1 : i32
        %get3A_138 = arith.index_cast %scan3A_32 : i32 to index
        %get3A_139 = arith.index_cast %get3A_137 : i32 to index
        %get3A_140 = arith.constant 48 : index
        %get3A_141 = tpu.vector_load %arg8[%get3A_138, %get3A_139, %get3A_140] {strides = array<i32>} : memref<96x2x128xf32, #tpu.memory_space<vmem>>, vector<1x1x16xf32>,
        %get3A_142 = vector.shape_cast %get3A_141 : vector<1x1x16xf32> to vector<16xf32>
        %get3A_143 = arith.constant 1 : i32
        %get3A_144 = arith.index_cast %scan3A_32 : i32 to index
        %get3A_145 = arith.index_cast %get3A_143 : i32 to index
        %get3A_146 = arith.constant 48 : index
        %get3A_147 = tpu.vector_load %arg9[%get3A_144, %get3A_145, %get3A_146] {strides = array<i32>} : memref<96x2x128xf32, #tpu.memory_space<vmem>>, vector<1x1x16xf32>,
        %get3A_148 = vector.shape_cast %get3A_147 : vector<1x1x16xf32> to vector<16xf32>
        %sub3A_149 = arith.subf %get3A_142, %get3A_148 : vector<16xf32>
        %mul3A_150 = arith.mulf %sub3A_149, %get3A_49 : vector<16xf32>
        %add3A_151 = arith.addf %add3A_136, %mul3A_150 : vector<16xf32>
        %mul3A_152 = arith.mulf %add3A_151, %add3A_151 : vector<16xf32>
        %add3A_153 = arith.addf %mul3A_100, %mul3A_152 : vector<16xf32>
        %get3A_154 = arith.constant 0 : i32
        %get3A_155 = arith.index_cast %scan3A_32 : i32 to index
        %get3A_156 = arith.index_cast %get3A_154 : i32 to index
        %get3A_157 = arith.constant 80 : index
        %get3A_158 = tpu.vector_load %arg8[%get3A_155, %get3A_156, %get3A_157] {strides = array<i32>} : memref<96x2x128xf32, #tpu.memory_space<vmem>>, vector<1x1x16xf32>,
        %get3A_159 = vector.shape_cast %get3A_158 : vector<1x1x16xf32> to vector<16xf32>
        %get3A_160 = arith.constant 1 : i32
        %get3A_161 = arith.index_cast %scan3A_32 : i32 to index
        %get3A_162 = arith.index_cast %get3A_160 : i32 to index
        %get3A_163 = arith.constant 64 : index
        %get3A_164 = tpu.vector_load %arg8[%get3A_161, %get3A_162, %get3A_163] {strides = array<i32>} : memref<96x2x128xf32, #tpu.memory_space<vmem>>, vector<1x1x16xf32>,
        %get3A_165 = vector.shape_cast %get3A_164 : vector<1x1x16xf32> to vector<16xf32>
        %get3A_166 = arith.constant 1 : i32
        %get3A_167 = arith.index_cast %scan3A_32 : i32 to index
        %get3A_168 = arith.index_cast %get3A_166 : i32 to index
        %get3A_169 = arith.constant 64 : index
        %get3A_170 = tpu.vector_load %arg9[%get3A_167, %get3A_168, %get3A_169] {strides = array<i32>} : memref<96x2x128xf32, #tpu.memory_space<vmem>>, vector<1x1x16xf32>,
        %get3A_171 = vector.shape_cast %get3A_170 : vector<1x1x16xf32> to vector<16xf32>
        %sub3A_172 = arith.subf %get3A_165, %get3A_171 : vector<16xf32>
        %mul3A_173 = arith.mulf %sub3A_172, %get3A_37 : vector<16xf32>
        %add3A_174 = arith.addf %get3A_159, %mul3A_173 : vector<16xf32>
        %get3A_175 = arith.constant 1 : i32
        %get3A_176 = arith.index_cast %scan3A_32 : i32 to index
        %get3A_177 = arith.index_cast %get3A_175 : i32 to index
        %get3A_178 = arith.constant 80 : index
        %get3A_179 = tpu.vector_load %arg8[%get3A_176, %get3A_177, %get3A_178] {strides = array<i32>} : memref<96x2x128xf32, #tpu.memory_space<vmem>>, vector<1x1x16xf32>,
        %get3A_180 = vector.shape_cast %get3A_179 : vector<1x1x16xf32> to vector<16xf32>
        %get3A_181 = arith.constant 1 : i32
        %get3A_182 = arith.index_cast %scan3A_32 : i32 to index
        %get3A_183 = arith.index_cast %get3A_181 : i32 to index
        %get3A_184 = arith.constant 80 : index
        %get3A_185 = tpu.vector_load %arg9[%get3A_182, %get3A_183, %get3A_184] {strides = array<i32>} : memref<96x2x128xf32, #tpu.memory_space<vmem>>, vector<1x1x16xf32>,
        %get3A_186 = vector.shape_cast %get3A_185 : vector<1x1x16xf32> to vector<16xf32>
        %sub3A_187 = arith.subf %get3A_180, %get3A_186 : vector<16xf32>
        %mul3A_188 = arith.mulf %sub3A_187, %get3A_43 : vector<16xf32>
        %add3A_189 = arith.addf %add3A_174, %mul3A_188 : vector<16xf32>
        %get3A_190 = arith.constant 1 : i32
        %get3A_191 = arith.index_cast %scan3A_32 : i32 to index
        %get3A_192 = arith.index_cast %get3A_190 : i32 to index
        %get3A_193 = arith.constant 96 : index
        %get3A_194 = tpu.vector_load %arg8[%get3A_191, %get3A_192, %get3A_193] {strides = array<i32>} : memref<96x2x128xf32, #tpu.memory_space<vmem>>, vector<1x1x16xf32>,
        %get3A_195 = vector.shape_cast %get3A_194 : vector<1x1x16xf32> to vector<16xf32>
        %get3A_196 = arith.constant 1 : i32
        %get3A_197 = arith.index_cast %scan3A_32 : i32 to index
        %get3A_198 = arith.index_cast %get3A_196 : i32 to index
        %get3A_199 = arith.constant 96 : index
        %get3A_200 = tpu.vector_load %arg9[%get3A_197, %get3A_198, %get3A_199] {strides = array<i32>} : memref<96x2x128xf32, #tpu.memory_space<vmem>>, vector<1x1x16xf32>,
        %get3A_201 = vector.shape_cast %get3A_200 : vector<1x1x16xf32> to vector<16xf32>
        %sub3A_202 = arith.subf %get3A_195, %get3A_201 : vector<16xf32>
        %mul3A_203 = arith.mulf %sub3A_202, %get3A_49 : vector<16xf32>
        %add3A_204 = arith.addf %add3A_189, %mul3A_203 : vector<16xf32>
        %mul3A_205 = arith.mulf %add3A_204, %add3A_204 : vector<16xf32>
        %add3A_206 = arith.addf %add3A_153, %mul3A_205 : vector<16xf32>
        %swap3A = arith.index_cast %scan3A_32 : i32 to index
        %swap3A_207 = arith.constant 0 : index
        %swap3A_208 = tpu.vector_load %arg10[%swap3A, %swap3A_207] {strides = array<i32>} : memref<96x16xf32, #tpu.memory_space<vmem>>, vector<1x16xf32>,
        %swap3A_209 = vector.shape_cast %swap3A_208 : vector<1x16xf32> to vector<16xf32>
        %swap3A_210 = vector.shape_cast %add3A_206 : vector<16xf32> to vector<1x16xf32>
        tpu.vector_store %arg10[%swap3A, %swap3A_207], %swap3A_210 {strides = array<i32>} : memref<96x16xf32, #tpu.memory_space<vmem>>, vector<1x16xf32>,
      }
      %scan3A_31 = arith.constant 96 : i32
      "tpu.region"() ({
        %run_scoped3A = tpu.sem_alloc : memref<!tpu.dma_semaphore, #tpu.memory_space<semaphore_mem>>
        %dma_start3A_32 = arith.constant 0 : i32
        %dma_start3A_33 = tpu.memref_slice %arg5[%add3A_11, %dma_start3A_32] : memref<6144x16xf32, #tpu.memory_space<hbm>> -> memref<96x16xf32, #tpu.memory_space<hbm>>
        %dma_start3A_34 = arith.constant 0 : i32
        %dma_start3A_35 = tpu.memref_slice %arg5[%add3A_11, %dma_start3A_34] : memref<6144x16xf32, #tpu.memory_space<hbm>> -> memref<96x16xf32, #tpu.memory_space<hbm>>
        tpu.enqueue_dma source(%arg10 : memref<96x16xf32, #tpu.memory_space<vmem>>) target(%dma_start3A_35 : memref<96x16xf32, #tpu.memory_space<hbm>>) target_semaphore(%run_scoped3A : memref<!tpu.dma_semaphore, #tpu.memory_space<semaphore_mem>>)
        %dma_wait3A_36 = arith.constant 0 : i32
        %dma_wait3A_37 = tpu.memref_slice %arg5[%add3A_11, %dma_wait3A_36] : memref<6144x16xf32, #tpu.memory_space<hbm>> -> memref<96x16xf32, #tpu.memory_space<hbm>>
        %dma_wait3A_38 = arith.constant 0 : i32
        %dma_wait3A_39 = tpu.memref_slice %arg5[%add3A_11, %dma_wait3A_38] : memref<6144x16xf32, #tpu.memory_space<hbm>> -> memref<96x16xf32, #tpu.memory_space<hbm>>
        tpu.wait_dma2 semaphore(%run_scoped3A : memref<!tpu.dma_semaphore, #tpu.memory_space<semaphore_mem>>) src(%arg10 : memref<96x16xf32, #tpu.memory_space<vmem>>) dst(%dma_wait3A_39 : memref<96x16xf32, #tpu.memory_space<hbm>>)
        tpu.yield
      }) : () -> ()
    }
    %scan3A_5 = arith.constant 2 : i32
    return
  }
}

module attributes {stable_mosaic.version = 14 : i64} {
  func.func @_body(%arg0: memref<1024x48xf32, #tpu.memory_space<vmem>>, %arg1: memref<1024x144xf32, #tpu.memory_space<vmem>>, %arg2: memref<1024x48xf32, #tpu.memory_space<vmem>>, %arg3: memref<3x2048xf32, #tpu.memory_space<vmem>>, %arg4: memref<2x64xf32, #tpu.memory_space<vmem>>, %arg5: memref<2x64xf32, #tpu.memory_space<vmem>>, %arg6: memref<3x16xf32, #tpu.memory_space<vmem>>, %arg7: memref<6144x16xf32, #tpu.memory_space<vmem>>, %arg8: memref<1x128xf32, #tpu.memory_space<vmem>>, %arg9: memref<4x512xf32, #tpu.memory_space<vmem>>, %arg10: memref<4x512xf32, #tpu.memory_space<vmem>>, %arg11: memref<4x512xf32, #tpu.memory_space<vmem>>, %arg12: memref<6144x16xf32, #tpu.memory_space<vmem>>) attributes {dimension_semantics = [], scalar_prefetch = 0 : i64, scratch_operands = 4 : i64, tpu.core_type = #tpu.core_type<tc>} {
    %get3A = arith.constant 0 : index
    %get3A_0 = arith.constant 0 : index
    %get3A_1 = vector.load %arg0[%get3A, %get3A_0] : memref<1024x48xf32, #tpu.memory_space<vmem>>, vector<1024x48xf32>
    %get3A_2 = arith.constant 0 : index
    %get3A_3 = arith.constant 0 : index
    %get3A_4 = vector.load %arg1[%get3A_2, %get3A_3] : memref<1024x144xf32, #tpu.memory_space<vmem>>, vector<1024x144xf32>
    %get3A_5 = arith.constant 0 : index
    %get3A_6 = arith.constant 0 : index
    %get3A_7 = vector.load %arg2[%get3A_5, %get3A_6] : memref<1024x48xf32, #tpu.memory_space<vmem>>, vector<1024x48xf32>
    %get3A_8 = arith.constant 0 : index
    %get3A_9 = arith.constant 0 : index
    %get3A_10 = vector.load %arg3[%get3A_8, %get3A_9] : memref<3x2048xf32, #tpu.memory_space<vmem>>, vector<3x2048xf32>
    %get3A_11 = arith.constant 0 : index
    %get3A_12 = arith.constant 0 : index
    %get3A_13 = vector.load %arg6[%get3A_11, %get3A_12] : memref<3x16xf32, #tpu.memory_space<vmem>>, vector<3x16xf32>
    %iota3A = tpu.iota {dimensions = array<i32: 1>} : vector<1x1024xi32>
    %convert_element_type3A = arith.sitofp %iota3A : vector<1x1024xi32> to vector<1x1024xf32>
    %slice3A = vector.extract_strided_slice %get3A_7 {offsets = [0, 0], sizes = [1024, 16], strides = [1, 1]} : vector<1024x48xf32> to vector<1024x16xf32>
    %slice3A_14 = vector.extract_strided_slice %get3A_4 {offsets = [0, 0], sizes = [1024, 16], strides = [1, 1]} : vector<1024x144xf32> to vector<1024x16xf32>
    %slice3A_15 = vector.extract_strided_slice %get3A_1 {offsets = [0, 0], sizes = [1024, 16], strides = [1, 1]} : vector<1024x48xf32> to vector<1024x16xf32>
    %mul3A = arith.mulf %slice3A_14, %slice3A_15 : vector<1024x16xf32>
    %add3A = arith.addf %slice3A, %mul3A : vector<1024x16xf32>
    %slice3A_16 = vector.extract_strided_slice %get3A_4 {offsets = [0, 16], sizes = [1024, 16], strides = [1, 1]} : vector<1024x144xf32> to vector<1024x16xf32>
    %slice3A_17 = vector.extract_strided_slice %get3A_1 {offsets = [0, 16], sizes = [1024, 16], strides = [1, 1]} : vector<1024x48xf32> to vector<1024x16xf32>
    %mul3A_18 = arith.mulf %slice3A_16, %slice3A_17 : vector<1024x16xf32>
    %add3A_19 = arith.addf %add3A, %mul3A_18 : vector<1024x16xf32>
    %slice3A_20 = vector.extract_strided_slice %get3A_4 {offsets = [0, 32], sizes = [1024, 16], strides = [1, 1]} : vector<1024x144xf32> to vector<1024x16xf32>
    %slice3A_21 = vector.extract_strided_slice %get3A_1 {offsets = [0, 32], sizes = [1024, 16], strides = [1, 1]} : vector<1024x48xf32> to vector<1024x16xf32>
    %mul3A_22 = arith.mulf %slice3A_20, %slice3A_21 : vector<1024x16xf32>
    %add3A_23 = arith.addf %add3A_19, %mul3A_22 : vector<1024x16xf32>
    %slice3A_24 = vector.extract_strided_slice %get3A_7 {offsets = [0, 16], sizes = [1024, 16], strides = [1, 1]} : vector<1024x48xf32> to vector<1024x16xf32>
    %slice3A_25 = vector.extract_strided_slice %get3A_4 {offsets = [0, 48], sizes = [1024, 16], strides = [1, 1]} : vector<1024x144xf32> to vector<1024x16xf32>
    %slice3A_26 = vector.extract_strided_slice %get3A_1 {offsets = [0, 0], sizes = [1024, 16], strides = [1, 1]} : vector<1024x48xf32> to vector<1024x16xf32>
    %mul3A_27 = arith.mulf %slice3A_25, %slice3A_26 : vector<1024x16xf32>
    %add3A_28 = arith.addf %slice3A_24, %mul3A_27 : vector<1024x16xf32>
    %slice3A_29 = vector.extract_strided_slice %get3A_4 {offsets = [0, 64], sizes = [1024, 16], strides = [1, 1]} : vector<1024x144xf32> to vector<1024x16xf32>
    %slice3A_30 = vector.extract_strided_slice %get3A_1 {offsets = [0, 16], sizes = [1024, 16], strides = [1, 1]} : vector<1024x48xf32> to vector<1024x16xf32>
    %mul3A_31 = arith.mulf %slice3A_29, %slice3A_30 : vector<1024x16xf32>
    %add3A_32 = arith.addf %add3A_28, %mul3A_31 : vector<1024x16xf32>
    %slice3A_33 = vector.extract_strided_slice %get3A_4 {offsets = [0, 80], sizes = [1024, 16], strides = [1, 1]} : vector<1024x144xf32> to vector<1024x16xf32>
    %slice3A_34 = vector.extract_strided_slice %get3A_1 {offsets = [0, 32], sizes = [1024, 16], strides = [1, 1]} : vector<1024x48xf32> to vector<1024x16xf32>
    %mul3A_35 = arith.mulf %slice3A_33, %slice3A_34 : vector<1024x16xf32>
    %add3A_36 = arith.addf %add3A_32, %mul3A_35 : vector<1024x16xf32>
    %slice3A_37 = vector.extract_strided_slice %get3A_7 {offsets = [0, 32], sizes = [1024, 16], strides = [1, 1]} : vector<1024x48xf32> to vector<1024x16xf32>
    %slice3A_38 = vector.extract_strided_slice %get3A_4 {offsets = [0, 96], sizes = [1024, 16], strides = [1, 1]} : vector<1024x144xf32> to vector<1024x16xf32>
    %slice3A_39 = vector.extract_strided_slice %get3A_1 {offsets = [0, 0], sizes = [1024, 16], strides = [1, 1]} : vector<1024x48xf32> to vector<1024x16xf32>
    %mul3A_40 = arith.mulf %slice3A_38, %slice3A_39 : vector<1024x16xf32>
    %add3A_41 = arith.addf %slice3A_37, %mul3A_40 : vector<1024x16xf32>
    %slice3A_42 = vector.extract_strided_slice %get3A_4 {offsets = [0, 112], sizes = [1024, 16], strides = [1, 1]} : vector<1024x144xf32> to vector<1024x16xf32>
    %slice3A_43 = vector.extract_strided_slice %get3A_1 {offsets = [0, 16], sizes = [1024, 16], strides = [1, 1]} : vector<1024x48xf32> to vector<1024x16xf32>
    %mul3A_44 = arith.mulf %slice3A_42, %slice3A_43 : vector<1024x16xf32>
    %add3A_45 = arith.addf %add3A_41, %mul3A_44 : vector<1024x16xf32>
    %slice3A_46 = vector.extract_strided_slice %get3A_4 {offsets = [0, 128], sizes = [1024, 16], strides = [1, 1]} : vector<1024x144xf32> to vector<1024x16xf32>
    %slice3A_47 = vector.extract_strided_slice %get3A_1 {offsets = [0, 32], sizes = [1024, 16], strides = [1, 1]} : vector<1024x48xf32> to vector<1024x16xf32>
    %mul3A_48 = arith.mulf %slice3A_46, %slice3A_47 : vector<1024x16xf32>
    %add3A_49 = arith.addf %add3A_45, %mul3A_48 : vector<1024x16xf32>
    %concatenate3A = tpu.concatenate %add3A_23, %add3A_36, %add3A_49 in 1 : vector<1024x16xf32>, vector<1024x16xf32>, vector<1024x16xf32> -> vector<1024x48xf32>
    %slice3A_50 = vector.extract_strided_slice %get3A_10 {offsets = [0, 0], sizes = [1, 2048], strides = [1, 1]} : vector<3x2048xf32> to vector<1x2048xf32>
    %slice3A_51 = vector.extract_strided_slice %get3A_10 {offsets = [1, 0], sizes = [1, 2048], strides = [1, 1]} : vector<3x2048xf32> to vector<1x2048xf32>
    %slice3A_52 = vector.extract_strided_slice %get3A_10 {offsets = [2, 0], sizes = [1, 2048], strides = [1, 1]} : vector<3x2048xf32> to vector<1x2048xf32>
    %concatenate3A_53 = tpu.concatenate %slice3A_50, %slice3A_51, %slice3A_50 in 1 : vector<1x2048xf32>, vector<1x2048xf32>, vector<1x2048xf32> -> vector<1x6144xf32>
    %concatenate3A_54 = tpu.concatenate %slice3A_51, %slice3A_52, %slice3A_52 in 1 : vector<1x2048xf32>, vector<1x2048xf32>, vector<1x2048xf32> -> vector<1x6144xf32>
    %mul3A_55 = arith.constant 1.024000e+03 : f32
    %mul3A_56 = vector.broadcast %mul3A_55 : f32 to vector<1x6144xf32>
    %mul3A_57 = arith.mulf %concatenate3A_53, %mul3A_56 : vector<1x6144xf32>
    %add3A_58 = arith.addf %mul3A_57, %concatenate3A_54 : vector<1x6144xf32>
    %slice3A_59 = vector.extract_strided_slice %slice3A_50 {offsets = [0, 0], sizes = [1, 512], strides = [1, 1]} : vector<1x2048xf32> to vector<1x512xf32>
    %swap3A = arith.constant 0 : index
    %swap3A_60 = arith.constant 0 : index
    %swap3A_61 = vector.load %arg9[%swap3A, %swap3A_60] : memref<4x512xf32, #tpu.memory_space<vmem>>, vector<1x512xf32>
    tpu.vector_store %arg9[%swap3A, %swap3A_60], %slice3A_59 {strides = array<i32>} : memref<4x512xf32, #tpu.memory_space<vmem>>, vector<1x512xf32>,
    %slice3A_62 = vector.extract_strided_slice %slice3A_51 {offsets = [0, 0], sizes = [1, 512], strides = [1, 1]} : vector<1x2048xf32> to vector<1x512xf32>
    %swap3A_63 = arith.constant 0 : index
    %swap3A_64 = arith.constant 0 : index
    %swap3A_65 = vector.load %arg10[%swap3A_63, %swap3A_64] : memref<4x512xf32, #tpu.memory_space<vmem>>, vector<1x512xf32>
    tpu.vector_store %arg10[%swap3A_63, %swap3A_64], %slice3A_62 {strides = array<i32>} : memref<4x512xf32, #tpu.memory_space<vmem>>, vector<1x512xf32>,
    %slice3A_66 = vector.extract_strided_slice %slice3A_52 {offsets = [0, 0], sizes = [1, 512], strides = [1, 1]} : vector<1x2048xf32> to vector<1x512xf32>
    %swap3A_67 = arith.constant 0 : index
    %swap3A_68 = arith.constant 0 : index
    %swap3A_69 = vector.load %arg11[%swap3A_67, %swap3A_68] : memref<4x512xf32, #tpu.memory_space<vmem>>, vector<1x512xf32>
    tpu.vector_store %arg11[%swap3A_67, %swap3A_68], %slice3A_66 {strides = array<i32>} : memref<4x512xf32, #tpu.memory_space<vmem>>, vector<1x512xf32>,
    %slice3A_70 = vector.extract_strided_slice %slice3A_50 {offsets = [0, 512], sizes = [1, 512], strides = [1, 1]} : vector<1x2048xf32> to vector<1x512xf32>
    %swap3A_71 = arith.constant 1 : index
    %swap3A_72 = arith.constant 0 : index
    %swap3A_73 = vector.load %arg9[%swap3A_71, %swap3A_72] : memref<4x512xf32, #tpu.memory_space<vmem>>, vector<1x512xf32>
    tpu.vector_store %arg9[%swap3A_71, %swap3A_72], %slice3A_70 {strides = array<i32>} : memref<4x512xf32, #tpu.memory_space<vmem>>, vector<1x512xf32>,
    %slice3A_74 = vector.extract_strided_slice %slice3A_51 {offsets = [0, 512], sizes = [1, 512], strides = [1, 1]} : vector<1x2048xf32> to vector<1x512xf32>
    %swap3A_75 = arith.constant 1 : index
    %swap3A_76 = arith.constant 0 : index
    %swap3A_77 = vector.load %arg10[%swap3A_75, %swap3A_76] : memref<4x512xf32, #tpu.memory_space<vmem>>, vector<1x512xf32>
    tpu.vector_store %arg10[%swap3A_75, %swap3A_76], %slice3A_74 {strides = array<i32>} : memref<4x512xf32, #tpu.memory_space<vmem>>, vector<1x512xf32>,
    %slice3A_78 = vector.extract_strided_slice %slice3A_52 {offsets = [0, 512], sizes = [1, 512], strides = [1, 1]} : vector<1x2048xf32> to vector<1x512xf32>
    %swap3A_79 = arith.constant 1 : index
    %swap3A_80 = arith.constant 0 : index
    %swap3A_81 = vector.load %arg11[%swap3A_79, %swap3A_80] : memref<4x512xf32, #tpu.memory_space<vmem>>, vector<1x512xf32>
    tpu.vector_store %arg11[%swap3A_79, %swap3A_80], %slice3A_78 {strides = array<i32>} : memref<4x512xf32, #tpu.memory_space<vmem>>, vector<1x512xf32>,
    %slice3A_82 = vector.extract_strided_slice %slice3A_50 {offsets = [0, 1024], sizes = [1, 512], strides = [1, 1]} : vector<1x2048xf32> to vector<1x512xf32>
    %swap3A_83 = arith.constant 2 : index
    %swap3A_84 = arith.constant 0 : index
    %swap3A_85 = vector.load %arg9[%swap3A_83, %swap3A_84] : memref<4x512xf32, #tpu.memory_space<vmem>>, vector<1x512xf32>
    tpu.vector_store %arg9[%swap3A_83, %swap3A_84], %slice3A_82 {strides = array<i32>} : memref<4x512xf32, #tpu.memory_space<vmem>>, vector<1x512xf32>,
    %slice3A_86 = vector.extract_strided_slice %slice3A_51 {offsets = [0, 1024], sizes = [1, 512], strides = [1, 1]} : vector<1x2048xf32> to vector<1x512xf32>
    %swap3A_87 = arith.constant 2 : index
    %swap3A_88 = arith.constant 0 : index
    %swap3A_89 = vector.load %arg10[%swap3A_87, %swap3A_88] : memref<4x512xf32, #tpu.memory_space<vmem>>, vector<1x512xf32>
    tpu.vector_store %arg10[%swap3A_87, %swap3A_88], %slice3A_86 {strides = array<i32>} : memref<4x512xf32, #tpu.memory_space<vmem>>, vector<1x512xf32>,
    %slice3A_90 = vector.extract_strided_slice %slice3A_52 {offsets = [0, 1024], sizes = [1, 512], strides = [1, 1]} : vector<1x2048xf32> to vector<1x512xf32>
    %swap3A_91 = arith.constant 2 : index
    %swap3A_92 = arith.constant 0 : index
    %swap3A_93 = vector.load %arg11[%swap3A_91, %swap3A_92] : memref<4x512xf32, #tpu.memory_space<vmem>>, vector<1x512xf32>
    tpu.vector_store %arg11[%swap3A_91, %swap3A_92], %slice3A_90 {strides = array<i32>} : memref<4x512xf32, #tpu.memory_space<vmem>>, vector<1x512xf32>,
    %slice3A_94 = vector.extract_strided_slice %slice3A_50 {offsets = [0, 1536], sizes = [1, 512], strides = [1, 1]} : vector<1x2048xf32> to vector<1x512xf32>
    %swap3A_95 = arith.constant 3 : index
    %swap3A_96 = arith.constant 0 : index
    %swap3A_97 = vector.load %arg9[%swap3A_95, %swap3A_96] : memref<4x512xf32, #tpu.memory_space<vmem>>, vector<1x512xf32>
    tpu.vector_store %arg9[%swap3A_95, %swap3A_96], %slice3A_94 {strides = array<i32>} : memref<4x512xf32, #tpu.memory_space<vmem>>, vector<1x512xf32>,
    %slice3A_98 = vector.extract_strided_slice %slice3A_51 {offsets = [0, 1536], sizes = [1, 512], strides = [1, 1]} : vector<1x2048xf32> to vector<1x512xf32>
    %swap3A_99 = arith.constant 3 : index
    %swap3A_100 = arith.constant 0 : index
    %swap3A_101 = vector.load %arg10[%swap3A_99, %swap3A_100] : memref<4x512xf32, #tpu.memory_space<vmem>>, vector<1x512xf32>
    tpu.vector_store %arg10[%swap3A_99, %swap3A_100], %slice3A_98 {strides = array<i32>} : memref<4x512xf32, #tpu.memory_space<vmem>>, vector<1x512xf32>,
    %slice3A_102 = vector.extract_strided_slice %slice3A_52 {offsets = [0, 1536], sizes = [1, 512], strides = [1, 1]} : vector<1x2048xf32> to vector<1x512xf32>
    %swap3A_103 = arith.constant 3 : index
    %swap3A_104 = arith.constant 0 : index
    %swap3A_105 = vector.load %arg11[%swap3A_103, %swap3A_104] : memref<4x512xf32, #tpu.memory_space<vmem>>, vector<1x512xf32>
    tpu.vector_store %arg11[%swap3A_103, %swap3A_104], %slice3A_102 {strides = array<i32>} : memref<4x512xf32, #tpu.memory_space<vmem>>, vector<1x512xf32>,
    %scan3A = arith.constant 0 : i32
    %scan3A_106 = arith.constant 4 : i32
    %scan3A_107 = arith.addi %scan3A, %scan3A_106 : i32
    %scan3A_108 = arith.constant 1 : i32
    scf.for %scan3A_347 = %scan3A to %scan3A_107 step %scan3A_108  : i32 {
      %get3A_348 = arith.index_cast %scan3A_347 : i32 to index
      %get3A_349 = arith.constant 0 : index
      %get3A_350 = vector.load %arg9[%get3A_348, %get3A_349] : memref<4x512xf32, #tpu.memory_space<vmem>>, vector<1x512xf32>
      %iota3A_351 = tpu.iota {dimensions = array<i32: 0>} : vector<512x1xi32>
      %convert_element_type3A_352 = arith.sitofp %iota3A_351 : vector<512x1xi32> to vector<512x1xf32>
      %iota3A_353 = tpu.iota {dimensions = array<i32: 1>} : vector<1x512xi32>
      %convert_element_type3A_354 = arith.sitofp %iota3A_353 : vector<1x512xi32> to vector<1x512xf32>
      %eq3A_355 = vector.broadcast %convert_element_type3A_352 : vector<512x1xf32> to vector<512x512xf32>
      %eq3A_356 = vector.broadcast %convert_element_type3A_354 : vector<1x512xf32> to vector<512x512xf32>
      %eq3A_357 = arith.cmpf oeq, %eq3A_355, %eq3A_356 : vector<512x512xf32>
      %convert_element_type3A_358 = arith.extui %eq3A_357 : vector<512x512xi1> to vector<512x512xi32>
      %convert_element_type3A_359 = arith.sitofp %convert_element_type3A_358 : vector<512x512xi32> to vector<512x512xf32>
      %dot_general3A_360 = arith.constant dense<0.000000e+00> : vector<512x1xf32>
      %dot_general3A_361 = tpu.matmul %convert_element_type3A_359, %get3A_350, %dot_general3A_360 {dimension_numbers = #tpu.dot_dimension_numbers<[1], [1], [0], [0], [0, 0, 1, 0], [], []>, transpose_lhs_hint = false} : vector<512x512xf32>, vector<1x512xf32>, vector<512x1xf32> -> vector<512x1xf32>
      %eq3A_362 = vector.broadcast %dot_general3A_361 : vector<512x1xf32> to vector<512x1024xf32>
      %eq3A_363 = vector.broadcast %convert_element_type3A : vector<1x1024xf32> to vector<512x1024xf32>
      %eq3A_364 = arith.cmpf oeq, %eq3A_362, %eq3A_363 : vector<512x1024xf32>
      %convert_element_type3A_365 = arith.extui %eq3A_364 : vector<512x1024xi1> to vector<512x1024xi32>
      %convert_element_type3A_366 = arith.sitofp %convert_element_type3A_365 : vector<512x1024xi32> to vector<512x1024xf32>
      %dot_general3A_367 = arith.constant dense<0.000000e+00> : vector<512x48xf32>
      %dot_general3A_368 = tpu.matmul %convert_element_type3A_366, %get3A_1, %dot_general3A_367 {dimension_numbers = #tpu.dot_dimension_numbers<[1], [0], [0], [1], [0, 0, 1, 1], [], []>, transpose_lhs_hint = false} : vector<512x1024xf32>, vector<1024x48xf32>, vector<512x48xf32> -> vector<512x48xf32>
      %get3A_369 = arith.index_cast %scan3A_347 : i32 to index
      %get3A_370 = arith.constant 0 : index
      %get3A_371 = vector.load %arg10[%get3A_369, %get3A_370] : memref<4x512xf32, #tpu.memory_space<vmem>>, vector<1x512xf32>
      %iota3A_372 = tpu.iota {dimensions = array<i32: 0>} : vector<512x1xi32>
      %convert_element_type3A_373 = arith.sitofp %iota3A_372 : vector<512x1xi32> to vector<512x1xf32>
      %iota3A_374 = tpu.iota {dimensions = array<i32: 1>} : vector<1x512xi32>
      %convert_element_type3A_375 = arith.sitofp %iota3A_374 : vector<1x512xi32> to vector<1x512xf32>
      %eq3A_376 = vector.broadcast %convert_element_type3A_373 : vector<512x1xf32> to vector<512x512xf32>
      %eq3A_377 = vector.broadcast %convert_element_type3A_375 : vector<1x512xf32> to vector<512x512xf32>
      %eq3A_378 = arith.cmpf oeq, %eq3A_376, %eq3A_377 : vector<512x512xf32>
      %convert_element_type3A_379 = arith.extui %eq3A_378 : vector<512x512xi1> to vector<512x512xi32>
      %convert_element_type3A_380 = arith.sitofp %convert_element_type3A_379 : vector<512x512xi32> to vector<512x512xf32>
      %dot_general3A_381 = arith.constant dense<0.000000e+00> : vector<512x1xf32>
      %dot_general3A_382 = tpu.matmul %convert_element_type3A_380, %get3A_371, %dot_general3A_381 {dimension_numbers = #tpu.dot_dimension_numbers<[1], [1], [0], [0], [0, 0, 1, 0], [], []>, transpose_lhs_hint = false} : vector<512x512xf32>, vector<1x512xf32>, vector<512x1xf32> -> vector<512x1xf32>
      %eq3A_383 = vector.broadcast %dot_general3A_382 : vector<512x1xf32> to vector<512x1024xf32>
      %eq3A_384 = vector.broadcast %convert_element_type3A : vector<1x1024xf32> to vector<512x1024xf32>
      %eq3A_385 = arith.cmpf oeq, %eq3A_383, %eq3A_384 : vector<512x1024xf32>
      %convert_element_type3A_386 = arith.extui %eq3A_385 : vector<512x1024xi1> to vector<512x1024xi32>
      %convert_element_type3A_387 = arith.sitofp %convert_element_type3A_386 : vector<512x1024xi32> to vector<512x1024xf32>
      %dot_general3A_388 = arith.constant dense<0.000000e+00> : vector<512x48xf32>
      %dot_general3A_389 = tpu.matmul %convert_element_type3A_387, %get3A_1, %dot_general3A_388 {dimension_numbers = #tpu.dot_dimension_numbers<[1], [0], [0], [1], [0, 0, 1, 1], [], []>, transpose_lhs_hint = false} : vector<512x1024xf32>, vector<1024x48xf32>, vector<512x48xf32> -> vector<512x48xf32>
      %get3A_390 = arith.index_cast %scan3A_347 : i32 to index
      %get3A_391 = arith.constant 0 : index
      %get3A_392 = vector.load %arg11[%get3A_390, %get3A_391] : memref<4x512xf32, #tpu.memory_space<vmem>>, vector<1x512xf32>
      %iota3A_393 = tpu.iota {dimensions = array<i32: 0>} : vector<512x1xi32>
      %convert_element_type3A_394 = arith.sitofp %iota3A_393 : vector<512x1xi32> to vector<512x1xf32>
      %iota3A_395 = tpu.iota {dimensions = array<i32: 1>} : vector<1x512xi32>
      %convert_element_type3A_396 = arith.sitofp %iota3A_395 : vector<1x512xi32> to vector<1x512xf32>
      %eq3A_397 = vector.broadcast %convert_element_type3A_394 : vector<512x1xf32> to vector<512x512xf32>
      %eq3A_398 = vector.broadcast %convert_element_type3A_396 : vector<1x512xf32> to vector<512x512xf32>
      %eq3A_399 = arith.cmpf oeq, %eq3A_397, %eq3A_398 : vector<512x512xf32>
      %convert_element_type3A_400 = arith.extui %eq3A_399 : vector<512x512xi1> to vector<512x512xi32>
      %convert_element_type3A_401 = arith.sitofp %convert_element_type3A_400 : vector<512x512xi32> to vector<512x512xf32>
      %dot_general3A_402 = arith.constant dense<0.000000e+00> : vector<512x1xf32>
      %dot_general3A_403 = tpu.matmul %convert_element_type3A_401, %get3A_392, %dot_general3A_402 {dimension_numbers = #tpu.dot_dimension_numbers<[1], [1], [0], [0], [0, 0, 1, 0], [], []>, transpose_lhs_hint = false} : vector<512x512xf32>, vector<1x512xf32>, vector<512x1xf32> -> vector<512x1xf32>
      %eq3A_404 = vector.broadcast %dot_general3A_403 : vector<512x1xf32> to vector<512x1024xf32>
      %eq3A_405 = vector.broadcast %convert_element_type3A : vector<1x1024xf32> to vector<512x1024xf32>
      %eq3A_406 = arith.cmpf oeq, %eq3A_404, %eq3A_405 : vector<512x1024xf32>
      %convert_element_type3A_407 = arith.extui %eq3A_406 : vector<512x1024xi1> to vector<512x1024xi32>
      %convert_element_type3A_408 = arith.sitofp %convert_element_type3A_407 : vector<512x1024xi32> to vector<512x1024xf32>
      %dot_general3A_409 = arith.constant dense<0.000000e+00> : vector<512x48xf32>
      %dot_general3A_410 = tpu.matmul %convert_element_type3A_408, %get3A_1, %dot_general3A_409 {dimension_numbers = #tpu.dot_dimension_numbers<[1], [0], [0], [1], [0, 0, 1, 1], [], []>, transpose_lhs_hint = false} : vector<512x1024xf32>, vector<1024x48xf32>, vector<512x48xf32> -> vector<512x48xf32>
      %slice3A_411 = vector.extract_strided_slice %dot_general3A_389 {offsets = [0, 0], sizes = [512, 16], strides = [1, 1]} : vector<512x48xf32> to vector<512x16xf32>
      %slice3A_412 = vector.extract_strided_slice %dot_general3A_410 {offsets = [0, 0], sizes = [512, 16], strides = [1, 1]} : vector<512x48xf32> to vector<512x16xf32>
      %sub3A_413 = arith.subf %slice3A_411, %slice3A_412 : vector<512x16xf32>
      %mul3A_414 = arith.mulf %sub3A_413, %sub3A_413 : vector<512x16xf32>
      %slice3A_415 = vector.extract_strided_slice %dot_general3A_389 {offsets = [0, 16], sizes = [512, 16], strides = [1, 1]} : vector<512x48xf32> to vector<512x16xf32>
      %slice3A_416 = vector.extract_strided_slice %dot_general3A_410 {offsets = [0, 16], sizes = [512, 16], strides = [1, 1]} : vector<512x48xf32> to vector<512x16xf32>
      %sub3A_417 = arith.subf %slice3A_415, %slice3A_416 : vector<512x16xf32>
      %mul3A_418 = arith.mulf %sub3A_417, %sub3A_417 : vector<512x16xf32>
      %add3A_419 = arith.addf %mul3A_414, %mul3A_418 : vector<512x16xf32>
      %slice3A_420 = vector.extract_strided_slice %dot_general3A_389 {offsets = [0, 32], sizes = [512, 16], strides = [1, 1]} : vector<512x48xf32> to vector<512x16xf32>
      %slice3A_421 = vector.extract_strided_slice %dot_general3A_410 {offsets = [0, 32], sizes = [512, 16], strides = [1, 1]} : vector<512x48xf32> to vector<512x16xf32>
      %sub3A_422 = arith.subf %slice3A_420, %slice3A_421 : vector<512x16xf32>
      %mul3A_423 = arith.mulf %sub3A_422, %sub3A_422 : vector<512x16xf32>
      %add3A_424 = arith.addf %add3A_419, %mul3A_423 : vector<512x16xf32>
      %sqrt3A = math.sqrt %add3A_424 : vector<512x16xf32>
      %slice3A_425 = vector.extract_strided_slice %dot_general3A_368 {offsets = [0, 0], sizes = [512, 16], strides = [1, 1]} : vector<512x48xf32> to vector<512x16xf32>
      %slice3A_426 = vector.extract_strided_slice %dot_general3A_410 {offsets = [0, 0], sizes = [512, 16], strides = [1, 1]} : vector<512x48xf32> to vector<512x16xf32>
      %sub3A_427 = arith.subf %slice3A_425, %slice3A_426 : vector<512x16xf32>
      %mul3A_428 = arith.mulf %sub3A_427, %sub3A_427 : vector<512x16xf32>
      %slice3A_429 = vector.extract_strided_slice %dot_general3A_368 {offsets = [0, 16], sizes = [512, 16], strides = [1, 1]} : vector<512x48xf32> to vector<512x16xf32>
      %slice3A_430 = vector.extract_strided_slice %dot_general3A_410 {offsets = [0, 16], sizes = [512, 16], strides = [1, 1]} : vector<512x48xf32> to vector<512x16xf32>
      %sub3A_431 = arith.subf %slice3A_429, %slice3A_430 : vector<512x16xf32>
      %mul3A_432 = arith.mulf %sub3A_431, %sub3A_431 : vector<512x16xf32>
      %add3A_433 = arith.addf %mul3A_428, %mul3A_432 : vector<512x16xf32>
      %slice3A_434 = vector.extract_strided_slice %dot_general3A_368 {offsets = [0, 32], sizes = [512, 16], strides = [1, 1]} : vector<512x48xf32> to vector<512x16xf32>
      %slice3A_435 = vector.extract_strided_slice %dot_general3A_410 {offsets = [0, 32], sizes = [512, 16], strides = [1, 1]} : vector<512x48xf32> to vector<512x16xf32>
      %sub3A_436 = arith.subf %slice3A_434, %slice3A_435 : vector<512x16xf32>
      %mul3A_437 = arith.mulf %sub3A_436, %sub3A_436 : vector<512x16xf32>
      %add3A_438 = arith.addf %add3A_433, %mul3A_437 : vector<512x16xf32>
      %sqrt3A_439 = math.sqrt %add3A_438 : vector<512x16xf32>
      %slice3A_440 = vector.extract_strided_slice %dot_general3A_368 {offsets = [0, 0], sizes = [512, 16], strides = [1, 1]} : vector<512x48xf32> to vector<512x16xf32>
      %slice3A_441 = vector.extract_strided_slice %dot_general3A_389 {offsets = [0, 0], sizes = [512, 16], strides = [1, 1]} : vector<512x48xf32> to vector<512x16xf32>
      %sub3A_442 = arith.subf %slice3A_440, %slice3A_441 : vector<512x16xf32>
      %mul3A_443 = arith.mulf %sub3A_442, %sub3A_442 : vector<512x16xf32>
      %slice3A_444 = vector.extract_strided_slice %dot_general3A_368 {offsets = [0, 16], sizes = [512, 16], strides = [1, 1]} : vector<512x48xf32> to vector<512x16xf32>
      %slice3A_445 = vector.extract_strided_slice %dot_general3A_389 {offsets = [0, 16], sizes = [512, 16], strides = [1, 1]} : vector<512x48xf32> to vector<512x16xf32>
      %sub3A_446 = arith.subf %slice3A_444, %slice3A_445 : vector<512x16xf32>
      %mul3A_447 = arith.mulf %sub3A_446, %sub3A_446 : vector<512x16xf32>
      %add3A_448 = arith.addf %mul3A_443, %mul3A_447 : vector<512x16xf32>
      %slice3A_449 = vector.extract_strided_slice %dot_general3A_368 {offsets = [0, 32], sizes = [512, 16], strides = [1, 1]} : vector<512x48xf32> to vector<512x16xf32>
      %slice3A_450 = vector.extract_strided_slice %dot_general3A_389 {offsets = [0, 32], sizes = [512, 16], strides = [1, 1]} : vector<512x48xf32> to vector<512x16xf32>
      %sub3A_451 = arith.subf %slice3A_449, %slice3A_450 : vector<512x16xf32>
      %mul3A_452 = arith.mulf %sub3A_451, %sub3A_451 : vector<512x16xf32>
      %add3A_453 = arith.addf %add3A_448, %mul3A_452 : vector<512x16xf32>
      %sqrt3A_454 = math.sqrt %add3A_453 : vector<512x16xf32>
      %add3A_455 = arith.addf %sqrt3A, %sqrt3A_439 : vector<512x16xf32>
      %add3A_456 = arith.addf %add3A_455, %sqrt3A_454 : vector<512x16xf32>
      %mul3A_457 = arith.constant 5.000000e-01 : f32
      %mul3A_458 = vector.broadcast %mul3A_457 : f32 to vector<512x16xf32>
      %mul3A_459 = arith.mulf %mul3A_458, %add3A_456 : vector<512x16xf32>
      %sub3A_460 = arith.subf %mul3A_459, %sqrt3A : vector<512x16xf32>
      %mul3A_461 = arith.mulf %mul3A_459, %sub3A_460 : vector<512x16xf32>
      %sub3A_462 = arith.subf %mul3A_459, %sqrt3A_439 : vector<512x16xf32>
      %mul3A_463 = arith.mulf %mul3A_461, %sub3A_462 : vector<512x16xf32>
      %sub3A_464 = arith.subf %mul3A_459, %sqrt3A_454 : vector<512x16xf32>
      %mul3A_465 = arith.mulf %mul3A_463, %sub3A_464 : vector<512x16xf32>
      %max3A_466 = arith.constant 9.99999996E-13 : f32
      %max3A_467 = vector.broadcast %max3A_466 : f32 to vector<512x16xf32>
      %max3A_468 = arith.maximumf %mul3A_465, %max3A_467 : vector<512x16xf32>
      %sqrt3A_469 = math.sqrt %max3A_468 : vector<512x16xf32>
      %mul3A_470 = arith.mulf %sqrt3A, %sqrt3A : vector<512x16xf32>
      %mul3A_471 = arith.mulf %sqrt3A_439, %sqrt3A_439 : vector<512x16xf32>
      %mul3A_472 = arith.mulf %sqrt3A_454, %sqrt3A_454 : vector<512x16xf32>
      %add3A_473 = arith.addf %mul3A_471, %mul3A_472 : vector<512x16xf32>
      %sub3A_474 = arith.subf %add3A_473, %mul3A_470 : vector<512x16xf32>
      %div3A_475 = arith.divf %sub3A_474, %sqrt3A_469 : vector<512x16xf32>
      %mul3A_476 = arith.constant 2.500000e-01 : f32
      %mul3A_477 = vector.broadcast %mul3A_476 : f32 to vector<512x16xf32>
      %mul3A_478 = arith.mulf %div3A_475, %mul3A_477 : vector<512x16xf32>
      %mul3A_479 = arith.constant 512 : i32
      %mul3A_480 = arith.muli %scan3A_347, %mul3A_479 : i32
      %swap3A_481 = arith.index_cast %mul3A_480 : i32 to index
      %swap3A_482 = arith.constant 0 : index
      %swap3A_483 = vector.load %arg12[%swap3A_481, %swap3A_482] : memref<6144x16xf32, #tpu.memory_space<vmem>>, vector<512x16xf32>
      tpu.vector_store %arg12[%swap3A_481, %swap3A_482], %mul3A_478 {strides = array<i32>} : memref<6144x16xf32, #tpu.memory_space<vmem>>, vector<512x16xf32>,
      %add3A_484 = arith.addf %mul3A_470, %mul3A_472 : vector<512x16xf32>
      %sub3A_485 = arith.subf %add3A_484, %mul3A_471 : vector<512x16xf32>
      %div3A_486 = arith.divf %sub3A_485, %sqrt3A_469 : vector<512x16xf32>
      %mul3A_487 = arith.constant 2.500000e-01 : f32
      %mul3A_488 = vector.broadcast %mul3A_487 : f32 to vector<512x16xf32>
      %mul3A_489 = arith.mulf %div3A_486, %mul3A_488 : vector<512x16xf32>
      %mul3A_490 = arith.constant 512 : i32
      %mul3A_491 = arith.muli %scan3A_347, %mul3A_490 : i32
      %add3A_492 = arith.constant 2048 : i32
      %add3A_493 = arith.addi %add3A_492, %mul3A_491 : i32
      %swap3A_494 = arith.index_cast %add3A_493 : i32 to index
      %swap3A_495 = arith.constant 0 : index
      %swap3A_496 = vector.load %arg12[%swap3A_494, %swap3A_495] : memref<6144x16xf32, #tpu.memory_space<vmem>>, vector<512x16xf32>
      tpu.vector_store %arg12[%swap3A_494, %swap3A_495], %mul3A_489 {strides = array<i32>} : memref<6144x16xf32, #tpu.memory_space<vmem>>, vector<512x16xf32>,
      %add3A_497 = arith.addf %mul3A_470, %mul3A_471 : vector<512x16xf32>
      %sub3A_498 = arith.subf %add3A_497, %mul3A_472 : vector<512x16xf32>
      %div3A_499 = arith.divf %sub3A_498, %sqrt3A_469 : vector<512x16xf32>
      %mul3A_500 = arith.constant 2.500000e-01 : f32
      %mul3A_501 = vector.broadcast %mul3A_500 : f32 to vector<512x16xf32>
      %mul3A_502 = arith.mulf %div3A_499, %mul3A_501 : vector<512x16xf32>
      %mul3A_503 = arith.constant 512 : i32
      %mul3A_504 = arith.muli %scan3A_347, %mul3A_503 : i32
      %add3A_505 = arith.constant 4096 : i32
      %add3A_506 = arith.addi %add3A_505, %mul3A_504 : i32
      %swap3A_507 = arith.index_cast %add3A_506 : i32 to index
      %swap3A_508 = arith.constant 0 : index
      %swap3A_509 = vector.load %arg12[%swap3A_507, %swap3A_508] : memref<6144x16xf32, #tpu.memory_space<vmem>>, vector<512x16xf32>
      tpu.vector_store %arg12[%swap3A_507, %swap3A_508], %mul3A_502 {strides = array<i32>} : memref<6144x16xf32, #tpu.memory_space<vmem>>, vector<512x16xf32>,
    }
    %scan3A_109 = arith.constant 4 : i32
    %get3A_110 = arith.constant 0 : index
    %get3A_111 = arith.constant 0 : index
    %get3A_112 = vector.load %arg7[%get3A_110, %get3A_111] : memref<6144x16xf32, #tpu.memory_space<vmem>>, vector<6144x16xf32>
    %convert_element_type3A_113 = arith.truncf %get3A_112 : vector<6144x16xf32> to vector<6144x16xbf16>
    %convert_element_type3A_114 = arith.extf %convert_element_type3A_113 : vector<6144x16xbf16> to vector<6144x16xf32>
    %sub3A = arith.subf %get3A_112, %convert_element_type3A_114 : vector<6144x16xf32>
    %iota3A_115 = tpu.iota {dimensions = array<i32: 1>} : vector<1x6144xi32>
    %convert_element_type3A_116 = arith.sitofp %iota3A_115 : vector<1x6144xi32> to vector<1x6144xf32>
    %broadcast_in_dim3A = arith.constant 1.000000e+00 : f32
    %broadcast_in_dim3A_117 = vector.broadcast %broadcast_in_dim3A : f32 to vector<1x6144xf32>
    %min3A = arith.minimumf %concatenate3A_53, %concatenate3A_54 : vector<1x6144xf32>
    %mul3A_118 = arith.constant 1.024000e+03 : f32
    %mul3A_119 = vector.broadcast %mul3A_118 : f32 to vector<1x6144xf32>
    %mul3A_120 = arith.mulf %min3A, %mul3A_119 : vector<1x6144xf32>
    %max3A = arith.maximumf %concatenate3A_53, %concatenate3A_54 : vector<1x6144xf32>
    %add3A_121 = arith.addf %mul3A_120, %max3A : vector<1x6144xf32>
    %broadcast_in_dim3A_122 = arith.constant 0.000000e+00 : f32
    %broadcast_in_dim3A_123 = vector.broadcast %broadcast_in_dim3A_122 : f32 to vector<1x16xf32>
    %scan3A_124 = arith.constant 0 : i32
    %scan3A_125 = arith.constant 24 : i32
    %scan3A_126 = arith.addi %scan3A_124, %scan3A_125 : i32
    %scan3A_127 = arith.constant 1 : i32
    %scan3A_128 = scf.for %scan3A_347 = %scan3A_124 to %scan3A_126 step %scan3A_127 iter_args(%scan3A_348 = %broadcast_in_dim3A_123) -> (vector<1x16xf32>)  : i32 {
      %convert_element_type3A_349 = arith.sitofp %scan3A_347 : i32 to f32
      %mul3A_350 = arith.constant 2.560000e+02 : f32
      %mul3A_351 = arith.mulf %convert_element_type3A_349, %mul3A_350 : f32
      %iota3A_352 = tpu.iota {dimensions = array<i32: 0>} : vector<256x1xi32>
      %convert_element_type3A_353 = arith.sitofp %iota3A_352 : vector<256x1xi32> to vector<256x1xf32>
      %add3A_354 = vector.broadcast %mul3A_351 : f32 to vector<256x1xf32>
      %add3A_355 = arith.addf %add3A_354, %convert_element_type3A_353 : vector<256x1xf32>
      %eq3A_356 = vector.broadcast %convert_element_type3A_116 : vector<1x6144xf32> to vector<256x6144xf32>
      %eq3A_357 = vector.broadcast %add3A_355 : vector<256x1xf32> to vector<256x6144xf32>
      %eq3A_358 = arith.cmpf oeq, %eq3A_356, %eq3A_357 : vector<256x6144xf32>
      %convert_element_type3A_359 = arith.extui %eq3A_358 : vector<256x6144xi1> to vector<256x6144xi32>
      %convert_element_type3A_360 = arith.sitofp %convert_element_type3A_359 : vector<256x6144xi32> to vector<256x6144xf32>
      %dot_general3A_361 = arith.constant dense<0.000000e+00> : vector<256x1xf32>
      %dot_general3A_362 = tpu.matmul %convert_element_type3A_360, %concatenate3A_53, %dot_general3A_361 {dimension_numbers = #tpu.dot_dimension_numbers<[1], [1], [0], [0], [0, 0, 1, 0], [], []>, transpose_lhs_hint = false} : vector<256x6144xf32>, vector<1x6144xf32>, vector<256x1xf32> -> vector<256x1xf32>
      %dot_general3A_363 = arith.constant dense<0.000000e+00> : vector<256x1xf32>
      %dot_general3A_364 = tpu.matmul %convert_element_type3A_360, %concatenate3A_54, %dot_general3A_363 {dimension_numbers = #tpu.dot_dimension_numbers<[1], [1], [0], [0], [0, 0, 1, 0], [], []>, transpose_lhs_hint = false} : vector<256x6144xf32>, vector<1x6144xf32>, vector<256x1xf32> -> vector<256x1xf32>
      %mul3A_365 = arith.constant 1.024000e+03 : f32
      %mul3A_366 = vector.broadcast %mul3A_365 : f32 to vector<256x1xf32>
      %mul3A_367 = arith.mulf %dot_general3A_362, %mul3A_366 : vector<256x1xf32>
      %add3A_368 = arith.addf %mul3A_367, %dot_general3A_364 : vector<256x1xf32>
      %min3A_369 = arith.minimumf %dot_general3A_362, %dot_general3A_364 : vector<256x1xf32>
      %mul3A_370 = arith.constant 1.024000e+03 : f32
      %mul3A_371 = vector.broadcast %mul3A_370 : f32 to vector<256x1xf32>
      %mul3A_372 = arith.mulf %min3A_369, %mul3A_371 : vector<256x1xf32>
      %max3A_373 = arith.maximumf %dot_general3A_362, %dot_general3A_364 : vector<256x1xf32>
      %add3A_374 = arith.addf %mul3A_372, %max3A_373 : vector<256x1xf32>
      %eq3A_375 = vector.broadcast %add3A_368 : vector<256x1xf32> to vector<256x6144xf32>
      %eq3A_376 = vector.broadcast %add3A_58 : vector<1x6144xf32> to vector<256x6144xf32>
      %eq3A_377 = arith.cmpf oeq, %eq3A_375, %eq3A_376 : vector<256x6144xf32>
      %eq3A_378 = vector.broadcast %add3A_374 : vector<256x1xf32> to vector<256x6144xf32>
      %eq3A_379 = vector.broadcast %add3A_121 : vector<1x6144xf32> to vector<256x6144xf32>
      %eq3A_380 = arith.cmpf oeq, %eq3A_378, %eq3A_379 : vector<256x6144xf32>
      %convert_element_type3A_381 = arith.extui %eq3A_380 : vector<256x6144xi1> to vector<256x6144xi32>
      %convert_element_type3A_382 = arith.sitofp %convert_element_type3A_381 : vector<256x6144xi32> to vector<256x6144xf32>
      %gt3A = vector.broadcast %convert_element_type3A_116 : vector<1x6144xf32> to vector<256x6144xf32>
      %gt3A_383 = vector.broadcast %add3A_355 : vector<256x1xf32> to vector<256x6144xf32>
      %gt3A_384 = arith.cmpf ogt, %gt3A, %gt3A_383 : vector<256x6144xf32>
      %and3A = arith.andi %eq3A_377, %gt3A_384 : vector<256x6144xi1>
      %convert_element_type3A_385 = arith.extui %and3A : vector<256x6144xi1> to vector<256x6144xi32>
      %convert_element_type3A_386 = arith.sitofp %convert_element_type3A_385 : vector<256x6144xi32> to vector<256x6144xf32>
      %dot_general3A_387 = arith.constant dense<0.000000e+00> : vector<256x1xf32>
      %dot_general3A_388 = tpu.matmul %convert_element_type3A_386, %broadcast_in_dim3A_117, %dot_general3A_387 {dimension_numbers = #tpu.dot_dimension_numbers<[1], [1], [0], [0], [0, 0, 1, 0], [], []>, transpose_lhs_hint = false} : vector<256x6144xf32>, vector<1x6144xf32>, vector<256x1xf32> -> vector<256x1xf32>
      %eq3A_389 = arith.constant 0.000000e+00 : f32
      %eq3A_390 = vector.broadcast %eq3A_389 : f32 to vector<256x1xf32>
      %eq3A_391 = arith.cmpf oeq, %dot_general3A_388, %eq3A_390 : vector<256x1xf32>
      %convert_element_type3A_392 = arith.extui %eq3A_391 : vector<256x1xi1> to vector<256x1xi32>
      %convert_element_type3A_393 = arith.sitofp %convert_element_type3A_392 : vector<256x1xi32> to vector<256x1xf32>
      %dot_general3A_394 = arith.constant dense<0.000000e+00> : vector<256x16xf32>
      %dot_general3A_395 = tpu.matmul %convert_element_type3A_382, %convert_element_type3A_114, %dot_general3A_394 {dimension_numbers = #tpu.dot_dimension_numbers<[1], [0], [0], [1], [0, 0, 1, 1], [], []>, transpose_lhs_hint = false} : vector<256x6144xf32>, vector<6144x16xf32>, vector<256x16xf32> -> vector<256x16xf32>
      %dot_general3A_396 = arith.constant dense<0.000000e+00> : vector<256x16xf32>
      %dot_general3A_397 = tpu.matmul %convert_element_type3A_382, %sub3A, %dot_general3A_396 {dimension_numbers = #tpu.dot_dimension_numbers<[1], [0], [0], [1], [0, 0, 1, 1], [], []>, transpose_lhs_hint = false} : vector<256x6144xf32>, vector<6144x16xf32>, vector<256x16xf32> -> vector<256x16xf32>
      %add3A_398 = arith.addf %dot_general3A_395, %dot_general3A_397 : vector<256x16xf32>
      %eq3A_399 = arith.cmpf oeq, %dot_general3A_362, %dot_general3A_364 : vector<256x1xf32>
      %convert_element_type3A_400 = arith.extui %eq3A_399 : vector<256x1xi1> to vector<256x1xi32>
      %convert_element_type3A_401 = arith.sitofp %convert_element_type3A_400 : vector<256x1xi32> to vector<256x1xf32>
      %add3A_402 = arith.constant 1.000000e+00 : f32
      %add3A_403 = vector.broadcast %add3A_402 : f32 to vector<256x1xf32>
      %add3A_404 = arith.addf %add3A_403, %convert_element_type3A_401 : vector<256x1xf32>
      %mul3A_405 = arith.constant 256 : i32
      %mul3A_406 = arith.muli %scan3A_347, %mul3A_405 : i32
      %get3A_407 = arith.index_cast %mul3A_406 : i32 to index
      %get3A_408 = arith.constant 0 : index
      %get3A_409 = vector.load %arg12[%get3A_407, %get3A_408] : memref<6144x16xf32, #tpu.memory_space<vmem>>, vector<256x16xf32>
      %mul3A_410 = arith.mulf %convert_element_type3A_393, %add3A_404 : vector<256x1xf32>
      %mul3A_411 = vector.broadcast %mul3A_410 : vector<256x1xf32> to vector<256x16xf32>
      %mul3A_412 = arith.mulf %mul3A_411, %get3A_409 : vector<256x16xf32>
      %mul3A_413 = arith.mulf %mul3A_412, %add3A_398 : vector<256x16xf32>
      %reduce_sum3A_414 = arith.constant dense<0.000000e+00> : vector<16xf32>
      %reduce_sum3A_415 = vector.multi_reduction <add>, %mul3A_413, %reduce_sum3A_414 [0] : vector<256x16xf32> to vector<16xf32>
      %reshape3A_416 = vector.shape_cast %reduce_sum3A_415 : vector<16xf32> to vector<1x16xf32>
      %add3A_417 = arith.addf %scan3A_348, %reshape3A_416 : vector<1x16xf32>
      scf.yield %add3A_417 : vector<1x16xf32>
    }
    %scan3A_129 = arith.constant 24 : i32
    %reduce_sum3A = vector.shape_cast %scan3A_128 : vector<1x16xf32> to vector<1x1x16xf32>
    %reduce_sum3A_130 = arith.constant dense<0.000000e+00> : vector<1xf32>
    %reduce_sum3A_131 = vector.multi_reduction <add>, %reduce_sum3A, %reduce_sum3A_130 [1, 2] : vector<1x1x16xf32> to vector<1xf32>
    %reduce_sum3A_132 = vector.shape_cast %reduce_sum3A_131 : vector<1xf32> to vector<1x1x1xf32>
    %reduce_sum3A_133 = vector.extract %reduce_sum3A_132[0, 0, 0] : f32 from vector<1x1x1xf32>
    %div3A = arith.constant 1.600000e+01 : f32
    %div3A_134 = arith.divf %reduce_sum3A_133, %div3A : f32
    %iota3A_135 = tpu.iota {dimensions = array<i32: 1>} : vector<1x16xi32>
    %convert_element_type3A_136 = arith.sitofp %iota3A_135 : vector<1x16xi32> to vector<1x16xf32>
    %get3A_137 = arith.constant 0 : index
    %get3A_138 = arith.constant 0 : index
    %get3A_139 = vector.load %arg4[%get3A_137, %get3A_138] : memref<2x64xf32, #tpu.memory_space<vmem>>, vector<1x64xf32>
    %iota3A_140 = tpu.iota {dimensions = array<i32: 0>} : vector<64x1xi32>
    %convert_element_type3A_141 = arith.sitofp %iota3A_140 : vector<64x1xi32> to vector<64x1xf32>
    %iota3A_142 = tpu.iota {dimensions = array<i32: 1>} : vector<1x64xi32>
    %convert_element_type3A_143 = arith.sitofp %iota3A_142 : vector<1x64xi32> to vector<1x64xf32>
    %eq3A = vector.broadcast %convert_element_type3A_141 : vector<64x1xf32> to vector<64x64xf32>
    %eq3A_144 = vector.broadcast %convert_element_type3A_143 : vector<1x64xf32> to vector<64x64xf32>
    %eq3A_145 = arith.cmpf oeq, %eq3A, %eq3A_144 : vector<64x64xf32>
    %convert_element_type3A_146 = arith.extui %eq3A_145 : vector<64x64xi1> to vector<64x64xi32>
    %convert_element_type3A_147 = arith.sitofp %convert_element_type3A_146 : vector<64x64xi32> to vector<64x64xf32>
    %dot_general3A = arith.constant dense<0.000000e+00> : vector<64x1xf32>
    %dot_general3A_148 = tpu.matmul %convert_element_type3A_147, %get3A_139, %dot_general3A {dimension_numbers = #tpu.dot_dimension_numbers<[1], [1], [0], [0], [0, 0, 1, 0], [], []>, transpose_lhs_hint = false} : vector<64x64xf32>, vector<1x64xf32>, vector<64x1xf32> -> vector<64x1xf32>
    %get3A_149 = arith.constant 1 : index
    %get3A_150 = arith.constant 0 : index
    %get3A_151 = vector.load %arg4[%get3A_149, %get3A_150] : memref<2x64xf32, #tpu.memory_space<vmem>>, vector<1x64xf32>
    %iota3A_152 = tpu.iota {dimensions = array<i32: 0>} : vector<64x1xi32>
    %convert_element_type3A_153 = arith.sitofp %iota3A_152 : vector<64x1xi32> to vector<64x1xf32>
    %iota3A_154 = tpu.iota {dimensions = array<i32: 1>} : vector<1x64xi32>
    %convert_element_type3A_155 = arith.sitofp %iota3A_154 : vector<1x64xi32> to vector<1x64xf32>
    %eq3A_156 = vector.broadcast %convert_element_type3A_153 : vector<64x1xf32> to vector<64x64xf32>
    %eq3A_157 = vector.broadcast %convert_element_type3A_155 : vector<1x64xf32> to vector<64x64xf32>
    %eq3A_158 = arith.cmpf oeq, %eq3A_156, %eq3A_157 : vector<64x64xf32>
    %convert_element_type3A_159 = arith.extui %eq3A_158 : vector<64x64xi1> to vector<64x64xi32>
    %convert_element_type3A_160 = arith.sitofp %convert_element_type3A_159 : vector<64x64xi32> to vector<64x64xf32>
    %dot_general3A_161 = arith.constant dense<0.000000e+00> : vector<64x1xf32>
    %dot_general3A_162 = tpu.matmul %convert_element_type3A_160, %get3A_151, %dot_general3A_161 {dimension_numbers = #tpu.dot_dimension_numbers<[1], [1], [0], [0], [0, 0, 1, 0], [], []>, transpose_lhs_hint = false} : vector<64x64xf32>, vector<1x64xf32>, vector<64x1xf32> -> vector<64x1xf32>
    %eq3A_163 = vector.broadcast %dot_general3A_148 : vector<64x1xf32> to vector<64x16xf32>
    %eq3A_164 = vector.broadcast %convert_element_type3A_136 : vector<1x16xf32> to vector<64x16xf32>
    %eq3A_165 = arith.cmpf oeq, %eq3A_163, %eq3A_164 : vector<64x16xf32>
    %convert_element_type3A_166 = arith.extui %eq3A_165 : vector<64x16xi1> to vector<64x16xi32>
    %convert_element_type3A_167 = arith.sitofp %convert_element_type3A_166 : vector<64x16xi32> to vector<64x16xf32>
    %eq3A_168 = vector.broadcast %dot_general3A_162 : vector<64x1xf32> to vector<64x1024xf32>
    %eq3A_169 = vector.broadcast %convert_element_type3A : vector<1x1024xf32> to vector<64x1024xf32>
    %eq3A_170 = arith.cmpf oeq, %eq3A_168, %eq3A_169 : vector<64x1024xf32>
    %convert_element_type3A_171 = arith.extui %eq3A_170 : vector<64x1024xi1> to vector<64x1024xi32>
    %convert_element_type3A_172 = arith.sitofp %convert_element_type3A_171 : vector<64x1024xi32> to vector<64x1024xf32>
    %convert_element_type3A_173 = arith.truncf %concatenate3A : vector<1024x48xf32> to vector<1024x48xbf16>
    %convert_element_type3A_174 = arith.extf %convert_element_type3A_173 : vector<1024x48xbf16> to vector<1024x48xf32>
    %sub3A_175 = arith.subf %concatenate3A, %convert_element_type3A_174 : vector<1024x48xf32>
    %dot_general3A_176 = arith.constant dense<0.000000e+00> : vector<64x48xf32>
    %dot_general3A_177 = tpu.matmul %convert_element_type3A_172, %convert_element_type3A_174, %dot_general3A_176 {dimension_numbers = #tpu.dot_dimension_numbers<[1], [0], [0], [1], [0, 0, 1, 1], [], []>, transpose_lhs_hint = false} : vector<64x1024xf32>, vector<1024x48xf32>, vector<64x48xf32> -> vector<64x48xf32>
    %dot_general3A_178 = arith.constant dense<0.000000e+00> : vector<64x48xf32>
    %dot_general3A_179 = tpu.matmul %convert_element_type3A_172, %sub3A_175, %dot_general3A_178 {dimension_numbers = #tpu.dot_dimension_numbers<[1], [0], [0], [1], [0, 0, 1, 1], [], []>, transpose_lhs_hint = false} : vector<64x1024xf32>, vector<1024x48xf32>, vector<64x48xf32> -> vector<64x48xf32>
    %add3A_180 = arith.addf %dot_general3A_177, %dot_general3A_179 : vector<64x48xf32>
    %slice3A_181 = vector.extract_strided_slice %add3A_180 {offsets = [0, 0], sizes = [64, 16], strides = [1, 1]} : vector<64x48xf32> to vector<64x16xf32>
    %mul3A_182 = arith.mulf %convert_element_type3A_167, %slice3A_181 : vector<64x16xf32>
    %reduce_sum3A_183 = arith.constant dense<0.000000e+00> : vector<64xf32>
    %reduce_sum3A_184 = vector.multi_reduction <add>, %mul3A_182, %reduce_sum3A_183 [1] : vector<64x16xf32> to vector<64xf32>
    %slice3A_185 = vector.extract_strided_slice %get3A_13 {offsets = [0, 0], sizes = [1, 16], strides = [1, 1]} : vector<3x16xf32> to vector<1x16xf32>
    %squeeze3A = vector.shape_cast %slice3A_185 : vector<1x16xf32> to vector<16xf32>
    %reshape3A = vector.shape_cast %squeeze3A : vector<16xf32> to vector<1x16xf32>
    %mul3A_186 = vector.broadcast %reshape3A : vector<1x16xf32> to vector<64x16xf32>
    %mul3A_187 = arith.mulf %convert_element_type3A_167, %mul3A_186 : vector<64x16xf32>
    %reduce_sum3A_188 = arith.constant dense<0.000000e+00> : vector<64xf32>
    %reduce_sum3A_189 = vector.multi_reduction <add>, %mul3A_187, %reduce_sum3A_188 [1] : vector<64x16xf32> to vector<64xf32>
    %sub3A_190 = arith.subf %reduce_sum3A_184, %reduce_sum3A_189 : vector<64xf32>
    %mul3A_191 = arith.mulf %sub3A_190, %sub3A_190 : vector<64xf32>
    %slice3A_192 = vector.extract_strided_slice %add3A_180 {offsets = [0, 16], sizes = [64, 16], strides = [1, 1]} : vector<64x48xf32> to vector<64x16xf32>
    %mul3A_193 = arith.mulf %convert_element_type3A_167, %slice3A_192 : vector<64x16xf32>
    %reduce_sum3A_194 = arith.constant dense<0.000000e+00> : vector<64xf32>
    %reduce_sum3A_195 = vector.multi_reduction <add>, %mul3A_193, %reduce_sum3A_194 [1] : vector<64x16xf32> to vector<64xf32>
    %slice3A_196 = vector.extract_strided_slice %get3A_13 {offsets = [1, 0], sizes = [1, 16], strides = [1, 1]} : vector<3x16xf32> to vector<1x16xf32>
    %squeeze3A_197 = vector.shape_cast %slice3A_196 : vector<1x16xf32> to vector<16xf32>
    %reshape3A_198 = vector.shape_cast %squeeze3A_197 : vector<16xf32> to vector<1x16xf32>
    %mul3A_199 = vector.broadcast %reshape3A_198 : vector<1x16xf32> to vector<64x16xf32>
    %mul3A_200 = arith.mulf %convert_element_type3A_167, %mul3A_199 : vector<64x16xf32>
    %reduce_sum3A_201 = arith.constant dense<0.000000e+00> : vector<64xf32>
    %reduce_sum3A_202 = vector.multi_reduction <add>, %mul3A_200, %reduce_sum3A_201 [1] : vector<64x16xf32> to vector<64xf32>
    %sub3A_203 = arith.subf %reduce_sum3A_195, %reduce_sum3A_202 : vector<64xf32>
    %mul3A_204 = arith.mulf %sub3A_203, %sub3A_203 : vector<64xf32>
    %add3A_205 = arith.addf %mul3A_191, %mul3A_204 : vector<64xf32>
    %slice3A_206 = vector.extract_strided_slice %add3A_180 {offsets = [0, 32], sizes = [64, 16], strides = [1, 1]} : vector<64x48xf32> to vector<64x16xf32>
    %mul3A_207 = arith.mulf %convert_element_type3A_167, %slice3A_206 : vector<64x16xf32>
    %reduce_sum3A_208 = arith.constant dense<0.000000e+00> : vector<64xf32>
    %reduce_sum3A_209 = vector.multi_reduction <add>, %mul3A_207, %reduce_sum3A_208 [1] : vector<64x16xf32> to vector<64xf32>
    %slice3A_210 = vector.extract_strided_slice %get3A_13 {offsets = [2, 0], sizes = [1, 16], strides = [1, 1]} : vector<3x16xf32> to vector<1x16xf32>
    %squeeze3A_211 = vector.shape_cast %slice3A_210 : vector<1x16xf32> to vector<16xf32>
    %reshape3A_212 = vector.shape_cast %squeeze3A_211 : vector<16xf32> to vector<1x16xf32>
    %mul3A_213 = vector.broadcast %reshape3A_212 : vector<1x16xf32> to vector<64x16xf32>
    %mul3A_214 = arith.mulf %convert_element_type3A_167, %mul3A_213 : vector<64x16xf32>
    %reduce_sum3A_215 = arith.constant dense<0.000000e+00> : vector<64xf32>
    %reduce_sum3A_216 = vector.multi_reduction <add>, %mul3A_214, %reduce_sum3A_215 [1] : vector<64x16xf32> to vector<64xf32>
    %sub3A_217 = arith.subf %reduce_sum3A_209, %reduce_sum3A_216 : vector<64xf32>
    %mul3A_218 = arith.mulf %sub3A_217, %sub3A_217 : vector<64xf32>
    %add3A_219 = arith.addf %add3A_205, %mul3A_218 : vector<64xf32>
    %reduce_sum3A_220 = vector.shape_cast %add3A_219 : vector<64xf32> to vector<1x64xf32>
    %reduce_sum3A_221 = arith.constant dense<0.000000e+00> : vector<1xf32>
    %reduce_sum3A_222 = vector.multi_reduction <add>, %reduce_sum3A_220, %reduce_sum3A_221 [1] : vector<1x64xf32> to vector<1xf32>
    %reduce_sum3A_223 = vector.shape_cast %reduce_sum3A_222 : vector<1xf32> to vector<1x1xf32>
    %reduce_sum3A_224 = vector.extract %reduce_sum3A_223[0, 0] : f32 from vector<1x1xf32>
    %div3A_225 = arith.constant 1.920000e+02 : f32
    %div3A_226 = arith.divf %reduce_sum3A_224, %div3A_225 : f32
    %get3A_227 = arith.constant 0 : index
    %get3A_228 = arith.constant 0 : index
    %get3A_229 = vector.load %arg5[%get3A_227, %get3A_228] : memref<2x64xf32, #tpu.memory_space<vmem>>, vector<1x64xf32>
    %iota3A_230 = tpu.iota {dimensions = array<i32: 0>} : vector<64x1xi32>
    %convert_element_type3A_231 = arith.sitofp %iota3A_230 : vector<64x1xi32> to vector<64x1xf32>
    %iota3A_232 = tpu.iota {dimensions = array<i32: 1>} : vector<1x64xi32>
    %convert_element_type3A_233 = arith.sitofp %iota3A_232 : vector<1x64xi32> to vector<1x64xf32>
    %eq3A_234 = vector.broadcast %convert_element_type3A_231 : vector<64x1xf32> to vector<64x64xf32>
    %eq3A_235 = vector.broadcast %convert_element_type3A_233 : vector<1x64xf32> to vector<64x64xf32>
    %eq3A_236 = arith.cmpf oeq, %eq3A_234, %eq3A_235 : vector<64x64xf32>
    %convert_element_type3A_237 = arith.extui %eq3A_236 : vector<64x64xi1> to vector<64x64xi32>
    %convert_element_type3A_238 = arith.sitofp %convert_element_type3A_237 : vector<64x64xi32> to vector<64x64xf32>
    %dot_general3A_239 = arith.constant dense<0.000000e+00> : vector<64x1xf32>
    %dot_general3A_240 = tpu.matmul %convert_element_type3A_238, %get3A_229, %dot_general3A_239 {dimension_numbers = #tpu.dot_dimension_numbers<[1], [1], [0], [0], [0, 0, 1, 0], [], []>, transpose_lhs_hint = false} : vector<64x64xf32>, vector<1x64xf32>, vector<64x1xf32> -> vector<64x1xf32>
    %get3A_241 = arith.constant 1 : index
    %get3A_242 = arith.constant 0 : index
    %get3A_243 = vector.load %arg5[%get3A_241, %get3A_242] : memref<2x64xf32, #tpu.memory_space<vmem>>, vector<1x64xf32>
    %iota3A_244 = tpu.iota {dimensions = array<i32: 0>} : vector<64x1xi32>
    %convert_element_type3A_245 = arith.sitofp %iota3A_244 : vector<64x1xi32> to vector<64x1xf32>
    %iota3A_246 = tpu.iota {dimensions = array<i32: 1>} : vector<1x64xi32>
    %convert_element_type3A_247 = arith.sitofp %iota3A_246 : vector<1x64xi32> to vector<1x64xf32>
    %eq3A_248 = vector.broadcast %convert_element_type3A_245 : vector<64x1xf32> to vector<64x64xf32>
    %eq3A_249 = vector.broadcast %convert_element_type3A_247 : vector<1x64xf32> to vector<64x64xf32>
    %eq3A_250 = arith.cmpf oeq, %eq3A_248, %eq3A_249 : vector<64x64xf32>
    %convert_element_type3A_251 = arith.extui %eq3A_250 : vector<64x64xi1> to vector<64x64xi32>
    %convert_element_type3A_252 = arith.sitofp %convert_element_type3A_251 : vector<64x64xi32> to vector<64x64xf32>
    %dot_general3A_253 = arith.constant dense<0.000000e+00> : vector<64x1xf32>
    %dot_general3A_254 = tpu.matmul %convert_element_type3A_252, %get3A_243, %dot_general3A_253 {dimension_numbers = #tpu.dot_dimension_numbers<[1], [1], [0], [0], [0, 0, 1, 0], [], []>, transpose_lhs_hint = false} : vector<64x64xf32>, vector<1x64xf32>, vector<64x1xf32> -> vector<64x1xf32>
    %eq3A_255 = vector.broadcast %dot_general3A_240 : vector<64x1xf32> to vector<64x16xf32>
    %eq3A_256 = vector.broadcast %convert_element_type3A_136 : vector<1x16xf32> to vector<64x16xf32>
    %eq3A_257 = arith.cmpf oeq, %eq3A_255, %eq3A_256 : vector<64x16xf32>
    %convert_element_type3A_258 = arith.extui %eq3A_257 : vector<64x16xi1> to vector<64x16xi32>
    %convert_element_type3A_259 = arith.sitofp %convert_element_type3A_258 : vector<64x16xi32> to vector<64x16xf32>
    %eq3A_260 = vector.broadcast %dot_general3A_254 : vector<64x1xf32> to vector<64x1024xf32>
    %eq3A_261 = vector.broadcast %convert_element_type3A : vector<1x1024xf32> to vector<64x1024xf32>
    %eq3A_262 = arith.cmpf oeq, %eq3A_260, %eq3A_261 : vector<64x1024xf32>
    %convert_element_type3A_263 = arith.extui %eq3A_262 : vector<64x1024xi1> to vector<64x1024xi32>
    %convert_element_type3A_264 = arith.sitofp %convert_element_type3A_263 : vector<64x1024xi32> to vector<64x1024xf32>
    %convert_element_type3A_265 = arith.truncf %concatenate3A : vector<1024x48xf32> to vector<1024x48xbf16>
    %convert_element_type3A_266 = arith.extf %convert_element_type3A_265 : vector<1024x48xbf16> to vector<1024x48xf32>
    %sub3A_267 = arith.subf %concatenate3A, %convert_element_type3A_266 : vector<1024x48xf32>
    %dot_general3A_268 = arith.constant dense<0.000000e+00> : vector<64x48xf32>
    %dot_general3A_269 = tpu.matmul %convert_element_type3A_264, %convert_element_type3A_266, %dot_general3A_268 {dimension_numbers = #tpu.dot_dimension_numbers<[1], [0], [0], [1], [0, 0, 1, 1], [], []>, transpose_lhs_hint = false} : vector<64x1024xf32>, vector<1024x48xf32>, vector<64x48xf32> -> vector<64x48xf32>
    %dot_general3A_270 = arith.constant dense<0.000000e+00> : vector<64x48xf32>
    %dot_general3A_271 = tpu.matmul %convert_element_type3A_264, %sub3A_267, %dot_general3A_270 {dimension_numbers = #tpu.dot_dimension_numbers<[1], [0], [0], [1], [0, 0, 1, 1], [], []>, transpose_lhs_hint = false} : vector<64x1024xf32>, vector<1024x48xf32>, vector<64x48xf32> -> vector<64x48xf32>
    %add3A_272 = arith.addf %dot_general3A_269, %dot_general3A_271 : vector<64x48xf32>
    %slice3A_273 = vector.extract_strided_slice %add3A_272 {offsets = [0, 0], sizes = [64, 16], strides = [1, 1]} : vector<64x48xf32> to vector<64x16xf32>
    %mul3A_274 = arith.mulf %convert_element_type3A_259, %slice3A_273 : vector<64x16xf32>
    %reduce_sum3A_275 = arith.constant dense<0.000000e+00> : vector<64xf32>
    %reduce_sum3A_276 = vector.multi_reduction <add>, %mul3A_274, %reduce_sum3A_275 [1] : vector<64x16xf32> to vector<64xf32>
    %slice3A_277 = vector.extract_strided_slice %get3A_13 {offsets = [0, 0], sizes = [1, 16], strides = [1, 1]} : vector<3x16xf32> to vector<1x16xf32>
    %squeeze3A_278 = vector.shape_cast %slice3A_277 : vector<1x16xf32> to vector<16xf32>
    %reshape3A_279 = vector.shape_cast %squeeze3A_278 : vector<16xf32> to vector<1x16xf32>
    %mul3A_280 = vector.broadcast %reshape3A_279 : vector<1x16xf32> to vector<64x16xf32>
    %mul3A_281 = arith.mulf %convert_element_type3A_259, %mul3A_280 : vector<64x16xf32>
    %reduce_sum3A_282 = arith.constant dense<0.000000e+00> : vector<64xf32>
    %reduce_sum3A_283 = vector.multi_reduction <add>, %mul3A_281, %reduce_sum3A_282 [1] : vector<64x16xf32> to vector<64xf32>
    %sub3A_284 = arith.subf %reduce_sum3A_276, %reduce_sum3A_283 : vector<64xf32>
    %mul3A_285 = arith.mulf %sub3A_284, %sub3A_284 : vector<64xf32>
    %slice3A_286 = vector.extract_strided_slice %add3A_272 {offsets = [0, 16], sizes = [64, 16], strides = [1, 1]} : vector<64x48xf32> to vector<64x16xf32>
    %mul3A_287 = arith.mulf %convert_element_type3A_259, %slice3A_286 : vector<64x16xf32>
    %reduce_sum3A_288 = arith.constant dense<0.000000e+00> : vector<64xf32>
    %reduce_sum3A_289 = vector.multi_reduction <add>, %mul3A_287, %reduce_sum3A_288 [1] : vector<64x16xf32> to vector<64xf32>
    %slice3A_290 = vector.extract_strided_slice %get3A_13 {offsets = [1, 0], sizes = [1, 16], strides = [1, 1]} : vector<3x16xf32> to vector<1x16xf32>
    %squeeze3A_291 = vector.shape_cast %slice3A_290 : vector<1x16xf32> to vector<16xf32>
    %reshape3A_292 = vector.shape_cast %squeeze3A_291 : vector<16xf32> to vector<1x16xf32>
    %mul3A_293 = vector.broadcast %reshape3A_292 : vector<1x16xf32> to vector<64x16xf32>
    %mul3A_294 = arith.mulf %convert_element_type3A_259, %mul3A_293 : vector<64x16xf32>
    %reduce_sum3A_295 = arith.constant dense<0.000000e+00> : vector<64xf32>
    %reduce_sum3A_296 = vector.multi_reduction <add>, %mul3A_294, %reduce_sum3A_295 [1] : vector<64x16xf32> to vector<64xf32>
    %sub3A_297 = arith.subf %reduce_sum3A_289, %reduce_sum3A_296 : vector<64xf32>
    %mul3A_298 = arith.mulf %sub3A_297, %sub3A_297 : vector<64xf32>
    %add3A_299 = arith.addf %mul3A_285, %mul3A_298 : vector<64xf32>
    %slice3A_300 = vector.extract_strided_slice %add3A_272 {offsets = [0, 32], sizes = [64, 16], strides = [1, 1]} : vector<64x48xf32> to vector<64x16xf32>
    %mul3A_301 = arith.mulf %convert_element_type3A_259, %slice3A_300 : vector<64x16xf32>
    %reduce_sum3A_302 = arith.constant dense<0.000000e+00> : vector<64xf32>
    %reduce_sum3A_303 = vector.multi_reduction <add>, %mul3A_301, %reduce_sum3A_302 [1] : vector<64x16xf32> to vector<64xf32>
    %slice3A_304 = vector.extract_strided_slice %get3A_13 {offsets = [2, 0], sizes = [1, 16], strides = [1, 1]} : vector<3x16xf32> to vector<1x16xf32>
    %squeeze3A_305 = vector.shape_cast %slice3A_304 : vector<1x16xf32> to vector<16xf32>
    %reshape3A_306 = vector.shape_cast %squeeze3A_305 : vector<16xf32> to vector<1x16xf32>
    %mul3A_307 = vector.broadcast %reshape3A_306 : vector<1x16xf32> to vector<64x16xf32>
    %mul3A_308 = arith.mulf %convert_element_type3A_259, %mul3A_307 : vector<64x16xf32>
    %reduce_sum3A_309 = arith.constant dense<0.000000e+00> : vector<64xf32>
    %reduce_sum3A_310 = vector.multi_reduction <add>, %mul3A_308, %reduce_sum3A_309 [1] : vector<64x16xf32> to vector<64xf32>
    %sub3A_311 = arith.subf %reduce_sum3A_303, %reduce_sum3A_310 : vector<64xf32>
    %mul3A_312 = arith.mulf %sub3A_311, %sub3A_311 : vector<64xf32>
    %add3A_313 = arith.addf %add3A_299, %mul3A_312 : vector<64xf32>
    %reduce_sum3A_314 = vector.shape_cast %add3A_313 : vector<64xf32> to vector<1x64xf32>
    %reduce_sum3A_315 = arith.constant dense<0.000000e+00> : vector<1xf32>
    %reduce_sum3A_316 = vector.multi_reduction <add>, %reduce_sum3A_314, %reduce_sum3A_315 [1] : vector<1x64xf32> to vector<1xf32>
    %reduce_sum3A_317 = vector.shape_cast %reduce_sum3A_316 : vector<1xf32> to vector<1x1xf32>
    %reduce_sum3A_318 = vector.extract %reduce_sum3A_317[0, 0] : f32 from vector<1x1xf32>
    %div3A_319 = arith.constant 1.920000e+02 : f32
    %div3A_320 = arith.divf %reduce_sum3A_318, %div3A_319 : f32
    %iota3A_321 = tpu.iota {dimensions = array<i32: 1>} : vector<1x128xi32>
    %convert_element_type3A_322 = arith.sitofp %iota3A_321 : vector<1x128xi32> to vector<1x128xf32>
    %eq3A_323 = arith.constant 0.000000e+00 : f32
    %eq3A_324 = vector.broadcast %eq3A_323 : f32 to vector<1x128xf32>
    %eq3A_325 = arith.cmpf oeq, %convert_element_type3A_322, %eq3A_324 : vector<1x128xf32>
    %jit3A = arith.constant 0.000000e+00 : f32
    %broadcast_in_dim3A_326 = vector.broadcast %div3A_134 : f32 to vector<1x128xf32>
    %broadcast_in_dim3A_327 = vector.broadcast %jit3A : f32 to vector<1x128xf32>
    %select_n3A = arith.select %eq3A_325, %broadcast_in_dim3A_326, %broadcast_in_dim3A_327 : vector<1x128xi1>, vector<1x128xf32>
    %eq3A_328 = arith.constant 1.000000e+00 : f32
    %eq3A_329 = vector.broadcast %eq3A_328 : f32 to vector<1x128xf32>
    %eq3A_330 = arith.cmpf oeq, %convert_element_type3A_322, %eq3A_329 : vector<1x128xf32>
    %jit3A_331 = arith.constant 0.000000e+00 : f32
    %broadcast_in_dim3A_332 = vector.broadcast %div3A_226 : f32 to vector<1x128xf32>
    %broadcast_in_dim3A_333 = vector.broadcast %jit3A_331 : f32 to vector<1x128xf32>
    %select_n3A_334 = arith.select %eq3A_330, %broadcast_in_dim3A_332, %broadcast_in_dim3A_333 : vector<1x128xi1>, vector<1x128xf32>
    %add3A_335 = arith.addf %select_n3A, %select_n3A_334 : vector<1x128xf32>
    %eq3A_336 = arith.constant 2.000000e+00 : f32
    %eq3A_337 = vector.broadcast %eq3A_336 : f32 to vector<1x128xf32>
    %eq3A_338 = arith.cmpf oeq, %convert_element_type3A_322, %eq3A_337 : vector<1x128xf32>
    %jit3A_339 = arith.constant 0.000000e+00 : f32
    %broadcast_in_dim3A_340 = vector.broadcast %div3A_320 : f32 to vector<1x128xf32>
    %broadcast_in_dim3A_341 = vector.broadcast %jit3A_339 : f32 to vector<1x128xf32>
    %select_n3A_342 = arith.select %eq3A_338, %broadcast_in_dim3A_340, %broadcast_in_dim3A_341 : vector<1x128xi1>, vector<1x128xf32>
    %add3A_343 = arith.addf %add3A_335, %select_n3A_342 : vector<1x128xf32>
    %swap3A_344 = arith.constant 0 : index
    %swap3A_345 = arith.constant 0 : index
    %swap3A_346 = vector.load %arg8[%swap3A_344, %swap3A_345] : memref<1x128xf32, #tpu.memory_space<vmem>>, vector<1x128xf32>
    tpu.vector_store %arg8[%swap3A_344, %swap3A_345], %add3A_343 {strides = array<i32>} : memref<1x128xf32, #tpu.memory_space<vmem>>, vector<1x128xf32>,
    return
  }
}

</mosaic_0001>

<sc_bundles>
// kernel: kernel.4.cloned.1.call-start
scs
__scs_entry_jumppad:
0x0: {  	(pc) =	sbr.rel $0x88, $3  }
0x1: {  	(tag) =	ssettag $0x0;
	lr =	simm.s32 $0x1  }
0x2: {  	[smem:$0x3F9A] =	sst lr;
	_ =	strace $0xD0000000  }
0x3: {  	_ = 	snop  }
0x4: {  	_ = 	snop  }
0x5: {  	_ = 	snop  }
0x6: {  	_ = 	snop  }
0x7: {  	_ = 	snop  }
__scs_overlays_trampoline_lowered:
0x8: {  	[smem:$0x3FA9] =	sst s0  }
0x9: {  	[smem:$0x3FAA] =	sst s1  }
0xa: {  	[smem:$0x3FAB] =	sst s2  }
0xb: {  	[smem:$0x3FAC] =	sst s3  }
0xc: {  	[smem:$0x3FAD] =	sst s4  }
0xd: {  	[smem:$0x3FAE] =	sst s5  }
0xe: {  	[smem:$0x3FAF] =	sst s6  }
0xf: {  	[smem:$0x3FB0] =	sst s7  }
0x10: {  	[smem:$0x3FB1] =	sst s8  }
0x11: {  	[smem:$0x3FB2] =	sst s9;
	s0 =	simm.s32 @!p0 $0x0  }
0x12: {  	s1 =	sld [smem:$0x3F98];
	s0 =	simm.s32 @p0 $0x1  }
0x13: {  	[smem:$0x3FB3] =	sst s0;
	s0 =	simm.s32 @!p1 $0x0  }
0x14: {  	s2 =	sld [smem:$0x3F97];
	s0 =	simm.s32 @p1 $0x1  }
0x15: {  	[smem:$0x3FB4] =	sst s0;
	s0 =	simm.s32 @!p2 $0x0  }
0x16: {  	s3 =	sld [smem:$0x3FDB];
	s0 =	simm.s32 @p2 $0x1  }
0x17: {  	s4 =	simm.s32 $0x1BF5;
	[smem:$0x3FB6] =	sst s0  }
0x18: {  	s0 =	sld [smem:$0x3F99];
	_ =	swait.ge [sflag:s4], $0x0  }
0x19: {  	s7 =	sld [smem:$0x3F9A]  }
0x1a: {  	s8 =	sadd.s32 $0xFFFFE003, lr  }
0x1b: {  	s9 =	sadd.s32 $0xFFFFFEF7, lr;
	s5 =	simm.s32 $0xFFFFFFFF;
	p2 =	slt.u32 s8, $0xFFFFF086  }
0x1c: {  	p1 =	slt.u32 s9, $0xF7A;
	s5 =	simm.s32 @!p2 $0x0  }
0x1d: {  	s5 =	simm.s32 @p1 $0x1;
	p0 =	seq.s32 s7, s2  }
0x1e: {  	s7 =	smul.u32 @!p0 $0xF7A, s2;
	p2 =	seq.s32 @!p0 s5, $0x0  }
0x1f: {  	s9 =	smul.u32 $0xF7A, s1;
	s8 =	simm.s32 @!p0 $0x1BF5;
	p2 =	por !p2, p0  }
0x20: {  	[sflag:s8] =	ssyncset.s32 @!p0 $0xFFFFF086;
	s6 =	sadd.s32 @!p0 s3, s7;
	s7 =	simm.s32 @!p0 $0x108  }
0x21: {  	s3 =	sadd.s32 s3, s9;
	s6 =	sadd.s32 @!p0 $0x88, s6;
	s7 =	simm.s32 @p2 $0x1082  }
0x22: {  	[simem:s7], [sflag:s8] =	dma.local @!p0 [hbm:s6], $0xF7A  }
0x23: {  	s9 =	sor.u32 $0xD0000000, s2;
	s6 =	simm.s32 $0x108;
	_ =	swait.ge @!p0 [sflag:s8], $0x0  }
0x24: {  	s3 =	sadd.s32 $0x88, s3;
	s6 =	simm.s32 @!p1 $0x1082;
	[sflag:s4] =	ssyncset.s32 $0xFFFFF086  }
0x25: {  	[simem:s6], [sflag:s4] =	dma.local [hbm:s3], $0xF7A  }
0x26: {  	[smem:$0x3F9A] =	sst s1;
	(tag) =	ssettag s2;
	_ =	strace s9  }
0x27: {  	s1 =	sld [smem:$0x3FAA]  }
0x28: {  	s2 =	sld [smem:$0x3FAB]  }
0x29: {  	s4 =	sld [smem:$0x3FAD]  }
0x2a: {  	p0 =	seq.s32 s5, $0x0;
	s5 =	sld [smem:$0x3FAE]  }
0x2b: {  	s6 =	sld [smem:$0x3FAF]  }
0x2c: {  	s7 =	sld [smem:$0x3FB0]  }
0x2d: {  	s3 =	simm.s32 $0x108;
	s8 =	sld [smem:$0x3FB1]  }
0x2e: {  	s3 =	simm.s32 @!p0 $0x1082;
	s9 =	sld [smem:$0x3FB2]  }
0x2f: {  	lr =	sadd.s32 s0, s3;
	s0 =	sld [smem:$0x3FA9]  }
0x30: {  	s3 =	sld [smem:$0x3FAC]  }
0x31: {  	[smem:$0x3FB5] =	sst s10  }
0x32: {  	s10 =	sld [smem:$0x3FB3];
	_ =	sdelay $0x3  }
0x33: {  	p0 =	seq.s32 s10, $0x1;
	s10 =	sld [smem:$0x3FB5];
	_ =	sdelay $0x3  }
0x34: {  	[smem:$0x3FB5] =	sst s10  }
0x35: {  	s10 =	sld [smem:$0x3FB4];
	_ =	sdelay $0x3  }
0x36: {  	p1 =	seq.s32 s10, $0x1;
	s10 =	sld [smem:$0x3FB5];
	_ =	sdelay $0x3  }
0x37: {  	[smem:$0x3FB5] =	sst s10  }
0x38: {  	s10 =	sld [smem:$0x3FB6]  }
0x39: {  	_ = 	snop;
	(pc) =	sbr.ind lr, $3  }
0x3a: {  	_ = 	snop  }
0x3b: {  	_ = 	snop  }
0x3c: {  	p2 =	seq.s32 s10, $0x1;
	s10 =	sld [smem:$0x3FB5]  }
0x3d: {  	_ =	shalt  }
0x3e: {  	_ =	shalt  }
0x3f: {  	_ =	shalt  }
0x40: {  	_ =	shalt  }
0x41: {  	_ =	shalt  }
0x42: {  	_ =	shalt  }
0x43: {  	_ =	shalt  }
0x44: {  	_ =	shalt  }
0x45: {  	_ =	shalt  }
0x46: {  	_ =	shalt  }
0x47: {  	_ =	shalt  }
0x48: {  	_ =	shalt  }
0x49: {  	_ =	shalt  }
0x4a: {  	_ =	shalt  }
0x4b: {  	_ =	shalt  }
0x4c: {  	_ =	shalt  }
0x4d: {  	_ =	shalt  }
0x4e: {  	_ =	shalt  }
0x4f: {  	_ =	shalt  }
0x50: {  	_ =	shalt  }
0x51: {  	_ =	shalt  }
0x52: {  	_ =	shalt  }
0x53: {  	_ =	shalt  }
0x54: {  	_ =	shalt  }
0x55: {  	_ =	shalt  }
0x56: {  	_ =	shalt  }
0x57: {  	_ =	shalt  }
0x58: {  	_ =	shalt  }
0x59: {  	_ =	shalt  }
0x5a: {  	_ =	shalt  }
0x5b: {  	_ =	shalt  }
0x5c: {  	_ =	shalt  }
0x5d: {  	_ =	shalt  }
0x5e: {  	_ =	shalt  }
0x5f: {  	_ =	shalt  }
0x60: {  	_ =	shalt  }
0x61: {  	_ =	shalt  }
0x62: {  	_ =	shalt  }
0x63: {  	_ =	shalt  }
0x64: {  	_ =	shalt  }
0x65: {  	_ =	shalt  }
0x66: {  	_ =	shalt  }
0x67: {  	_ =	shalt  }
0x68: {  	_ =	shalt  }
0x69: {  	_ =	shalt  }
0x6a: {  	_ =	shalt  }
0x6b: {  	_ =	shalt  }
0x6c: {  	_ =	shalt  }
0x6d: {  	_ =	shalt  }
0x6e: {  	_ =	shalt  }
0x6f: {  	_ =	shalt  }
0x70: {  	_ =	shalt  }
0x71: {  	_ =	shalt  }
0x72: {  	_ =	shalt  }
0x73: {  	_ =	shalt  }
0x74: {  	_ =	shalt  }
0x75: {  	_ =	shalt  }
0x76: {  	_ =	shalt  }
0x77: {  	_ =	shalt  }
0x78: {  	_ =	shalt  }
0x79: {  	_ =	shalt  }
0x7a: {  	_ =	shalt  }
0x7b: {  	_ =	shalt  }
0x7c: {  	_ =	shalt  }
0x7d: {  	_ =	shalt  }
0x7e: {  	_ =	shalt  }
0x7f: {  	_ =	shalt  }
0x80: {  	_ =	shalt  }
0x81: {  	_ =	shalt  }
0x82: {  	_ =	shalt  }
0x83: {  	_ =	shalt  }
0x84: {  	_ =	shalt  }
0x85: {  	_ =	shalt  }
0x86: {  	_ =	shalt  }
0x87: {  	_ =	shalt  }
.Lfunc_end0:
.L_simem_size_0:
called_computation_lowered:
.L_overlay_start_0:
0x88: {  	s2 =	sld [smem:$0x3FD9]  }
0x89: {  	s3 =	sld [smem:$0x3FFE];
	_ =	sdelay $0x1  }
0x8a: {  	s1 =	srdreg.scid  }
0x8b: {  	s0 =	sand.u32 $0x1, s1  }
0x8c: {  	s16 =	sshll.u32 s0, $0xA;
	s2 =	sadd.s32 s3, s2  }
0x8d: {  	s2 =	sadd.s32 s2, s16  }
0x8e: {  	[smem:$0x3FC1] =	sst s2  }
0x8f: {  	_ = 	snop  }
0x90: {  	(tm) =	ssettm $0x1  }
0x91: {  	s17 =	sld [smem:$0x3FFB];
	_ =	sdelay $0x3  }
0x92: {  	_ =	strace s17  }
0x93: {  	s2 =	sld [smem:$0x3FFC];
	_ =	sdelay $0x3  }
0x94: {  	_ =	strace s2  }
0x95: {  	s2 =	sld [smem:$0x3FFD];
	_ =	sdelay $0x3  }
0x96: {  	_ =	strace s2  }
0x97: {  	_ =	strace $0x8FFFFFFF  }
0x98: {  	s18 =	sld [smem:$0x3FDB];
	_ =	sdelay $0x1  }
0x99: {  	s19 =	simm.s32 $_scs_section_size  }
0x9a: {  	s4 =	simm.s32 $_size__tile_overlayer_lowered;
	s5 =	simm.s32 $_tile_overlayer_lowered  }
0x9b: {  	s22 =	simm.s32 $0x1BFF;
	s21 =	sshll.u32 s5, $0x1;
	s2 =	sadd.s32 s19, s18  }
0x9c: {  	s6 =	simm.s32 $0x0;
	s20 =	sshll.u32 s4, $0x1;
	s4 =	sadd.s32 s21, s2  }
0x9d: {  	[timem:s6], [sflag:s22] =	dma.local [hbm:s4], s20  }
0x9e: {  	_ =	swait.ge [sflag:s22], s20  }
0x9f: {  	s3 =	ssub.s32 $0x0, s20;
	[sflag:s22] =	ssyncset.done $0x0  }
0xa0: {  	[sflag:s22] =	ssyncadd.s32 s3;
	_ =	sdelay $0x1  }
0xa1: {  	s23 =	simm.s32 $0x1B8B  }
0xa2: {  	_ =	swait.ge [sflag:s23], $0x1  }
0xa3: {  	[sflag:s23] =	ssyncset.done $0x0  }
0xa4: {  	s25 =	simm.s32 $0x1B8E;
	s24 =	sld [smem:$0x3FFE];
	[sflag:s23] =	ssyncadd.s32 $0xFFFFFFFF  }
0xa5: {  	s26 =	simm.s32 $execute0_lowered;
	[smem:$0x3FD2] =	sst s25  }
0xa6: {  	s4 =	sshll.u32 s26, $0x1;
	_ =	strace $0x80000046;
	[dreg:$0x1] =	wrdreg $0xFFFFFFFF  }
0xa7: {  	s28 =	simm.s32 $_size_execute0_lowered;
	s2 =	sadd.s32 s2, s4;
	[dreg:$0x0] =	wrdreg $0x0  }
0xa8: {  	s4 =	sshll.u32 s28, $0x1;
	[dreg:$0x2] =	wrdreg s2  }
0xa9: {  	[dreg:$0x3] =	wrdreg s4  }
0xaa: {  	[dreg:$0x4] =	wrdreg $0xC0  }
0xab: {  	_ =	task [dreg:s6], $0x5FFFF  }
0xac: {  	[dreg:$0x1] =	wrdreg $0xFFFFFFFF  }
0xad: {  	[dreg:$0x0] =	wrdreg $0x60  }
0xae: {  	[dreg:$0x2] =	wrdreg s24  }
0xaf: {  	[dreg:$0x3] =	wrdreg $0x9  }
0xb0: {  	_ =	task.clear_ibuf [dreg:s6], $0x4FFFF;
	_ =	strace $0x90000046  }
0xb1: {  	s29 =	simm.s32 $0x9;
	_ =	strace $0x80000048  }
0xb2: {  	_ =	swait.ge [sflag:s29], $0x1  }
0xb3: {  	[sflag:s29] =	ssyncadd.s32 $0xFFFFFFFF  }
0xb4: {  	_ =	strace $0x90000048  }
0xb5: {  	_ =	sfence  }
0xb6: {  	s30 =	sld [smem:$0x0];
	_ =	sdelay $0x2  }
0xb7: {  	s31 =	sshll.u32 s1, $0xD;
	s1 =	sshrl.u32 s1, $0x2  }
0xb8: {  	s3 =	sand.u32 $0x4000, s31;
	s1 =	sadd.s32 s1, s30  }
0xb9: {  	s0 =	sor.u32 s3, s0;
	s1 =	sshll.u32 s1, $0x11  }
0xba: {  	s0 =	sor.u32 s1, s0  }
0xbb: {  	s0 =	sadd.s32 $0x8F2B, s0  }
0xbc: {  	[sflag:s0] =	ssyncadd.remote.s32 $0x1  }
0xbd: {  	_ =	sfence.sel $0xFFFF  }
0xbe: {  	[dreg:$0x0] =	wrdreg $0xFFFFFFFF;
	(pc) =	sbr.abs _section_cstart, $3  }
0xbf: {  	[dreg:$0x1] =	wrdreg $0xFFFFFFFF  }
0xc0: {  	_ =	task.clear_ibuf [dreg:s6], $0x2FFFF;
	_ =	strace $0x9FFFFFFF  }
0xc1: {  	(tm) =	ssettm $0x7FFFFFFF  }
tec
execute0_lowered:
.L_overlay_start_1:
0x0: {  	(tag) =	ssettag $0x1  }
0x1: {  	s6 =	rddreg [dreg:$0x0]  }
0x2: {  	s0 =	rddreg [dreg:$0x1];
	s1 =	simm.s32 $0x0  }
0x3: {  	s4 =	srdreg.scid;
	s2 =	stileid.u32;
	s11 =	simm.s32 $0x60  }
0x4: {  	s12 =	simm.s32 $0x100;
	s13 =	simm.s32 $0x6100;
	s14 =	simm.s32 $0x1  }
0x5: {  	s15 =	simm.s32 $0xC100;
	s16 =	simm.s32 $0x0;
	[smem:$0x7FF] =	sst s1  }
0x6: {  	s3 =	sadd.s32 $0x1A00, s6;
	s7 =	sand.u32 $0x1, s4;
	s4 =	sadd.s32 $0x9E00, s6  }
0x7: {  	s9 =	sshll.u32 s2, $0x1;
	s5 =	sadd.s32 $0x9A00, s6;
	s8 =	ssub.s32 $0x2, s7  }
0x8: {  	s6 =	sadd.s32 $0xA200, s6;
	_ =	strace $0x80000047;
	s10 =	sshrl.u32 s8, $0x1  }
0x9: {  	s7 =	sor.u32 s7, s9;
	s9 =	simm.s32 $0x2;
	s8 =	ssub.s32 s8, s10  }
0xa: {  	s7 =	smul.u32 $0xC0, s7;
	s10 =	simm.s32 $0x80;
	s8 =	smax.u32 s8, $0x1  }
.LBB2_1:
0xb: {  	p1 =	por $0x1, $0x1;
	s17 =	simm.s32 $0x0  }
.LBB2_2:
0xc: {  	s17 =	sadd.s32 s7, s17  }
0xd: {  	s18 =	sshrl.u32 s17, $0x3  }
0xe: {  	s20 =	simm.s32 $0x0;
	s19 =	sadd.s32 s4, s18  }
0xf: {  	[tilespmem:s20], [sflag:$0x2] =	stream.linear.gather [hbm4b:s19+s20], $0x60, $0x38;
	[tilespmem:$0xF100] =	vst v63  }
0x10: {  	_ =	swait.ge [sflag:s9], $0x60  }
0x11: {  	[sflag:s9] =	ssyncset.done $0x0  }
0x12: {  	s18 =	sadd.s32 s5, s18;
	[sflag:s9] =	ssyncadd.s32 $0xFFFFFFA0  }
0x13: {  	[tilespmem:s10], [sflag:$0x2] =	stream.linear.gather [hbm4b:s18+s20], $0x60, $0x38;
	[tilespmem:$0xF100] =	vst v63  }
0x14: {  	_ =	swait.ge [sflag:s9], $0x60  }
0x15: {  	[sflag:s9] =	ssyncset.done $0x0  }
0x16: {  	[sflag:s9] =	ssyncadd.s32 $0xFFFFFFA0  }
0x17: {  	[tilespmem:s12], [sflag:$0x1] =	stream.indirect.gather [hbm4b:s3+s11], $0x100, s10, s11, $0xb8;
	[tilespmem:$0xF100] =	vst v63  }
0x18: {  	_ = 	snop  }
0x19: {  	[tilespmem:s13], [sflag:$0x1] =	stream.indirect.gather [hbm4b:s3+s11], $0x100, s20, s11, $0xb8;
	[tilespmem:$0xF100] =	vst v63  }
0x1a: {  	_ =	swait.ge [sflag:s14], $0x6000  }
0x1b: {  	[sflag:s14] =	ssyncset.done $0x0  }
0x1c: {  	[sflag:s14] =	ssyncadd.s32 $0xFFFFA000  }
0x1d: {  	_ =	swait.ge [sflag:s14], $0x6000  }
0x1e: {  	[sflag:s14] =	ssyncset.done $0x0  }
0x1f: {  	s31 =	simm.s32 $0x0;
	[sflag:s14] =	ssyncadd.s32 $0xFFFFA000  }
0x20: {  	v0 =	vld [tilespmem:s31+$0x150]  }
0x21: {  	v1 =	vld [tilespmem:s31+$0x1E0]  }
0x22: {  	v2 =	vld [tilespmem:s31+$0x61E0]  }
0x23: {  	v3 =	vld [tilespmem:s31+$0x130]  }
0x24: {  	v4 =	vld [tilespmem:s31+$0x180]  }
0x25: {  	v5 =	vld [tilespmem:s31+$0x6180]  }
0x26: {  	v6 =	vld [tilespmem:s31+$0x1B0]  }
0x27: {  	v7 =	vld [tilespmem:s31+$0x61B0]  }
0x28: {  	v8 =	vld [tilespmem:s31+$0x1D0]  }
0x29: {  	v9 =	vld [tilespmem:s31+$0x61D0]  }
0x2a: {  	v10 =	vld [tilespmem:s31+$0x170]  }
0x2b: {  	v11 =	vld [tilespmem:s31+$0x6170]  }
0x2c: {  	v12 =	vld [tilespmem:s31+$0x1A0]  }
0x2d: {  	v13 =	vld [tilespmem:s31+$0x61A0]  }
0x2e: {  	v14 =	vld [tilespmem:s31+$0x1C0]  }
0x2f: {  	v15 =	vld [tilespmem:s31+$0x160]  }
0x30: {  	v16 =	vld [tilespmem:s31+$0x6160]  }
0x31: {  	v17 =	vld [tilespmem:s31+$0x190]  }
0x32: {  	v18 =	vld [tilespmem:s31+$0x6190]  }
0x33: {  	v19 =	vld [tilespmem:s31+$0x61C0]  }
0x34: {  	v20 =	vld [tilespmem:s31+$0x100]  }
0x35: {  	v21 =	vld [tilespmem:s31+$0x110];
	v1 =	vsub.f32 v1, v2  }
0x36: {  	v2 =	vsub.f32 v4, v5;
	v4 =	vld [tilespmem:s31+$0x140];
	v5 =	vsub.f32 v6, v7  }
0x37: {  	v6 =	vld [tilespmem:s31+$0x120];
	v7 =	vsub.f32 v15, v16;
	v15 =	vsub.f32 v17, v18  }
0x38: {  	v10 =	vsub.f32 v10, v11;
	v11 =	vsub.f32 v14, v19  }
0x39: {  	v12 =	vsub.f32 v12, v13;
	v7 =	vmul.f32 v7, v20;
	v14 =	vmul.f32 v15, v20  }
0x3a: {  	v8 =	vsub.f32 v8, v9;
	v10 =	vmul.f32 v10, v21;
	v11 =	vmul.f32 v11, v20  }
0x3b: {  	v3 =	vadd.f32 v7, v3;
	v7 =	vmul.f32 v12, v21;
	v4 =	vadd.f32 v14, v4  }
0x3c: {  	v8 =	vmul.f32 v8, v21;
	v0 =	vadd.f32 v11, v0;
	v2 =	vmul.f32 v2, v6  }
0x3d: {  	v5 =	vmul.f32 v5, v6;
	v3 =	vadd.f32 v10, v3;
	v4 =	vadd.f32 v7, v4  }
0x3e: {  	v0 =	vadd.f32 v8, v0  }
0x3f: {  	v1 =	vmul.f32 v1, v6;
	v2 =	vadd.f32 v2, v3;
	v3 =	vadd.f32 v5, v4;
	_ =	sdelay $0x1  }
0x40: {  	v0 =	vadd.f32 v1, v0;
	v2 =	vmul.f32 v2, v2;
	v3 =	vmul.f32 v3, v3;
	_ =	sdelay $0x1  }
0x41: {  	v0 =	vmul.f32 v0, v0;
	v1 =	vadd.f32 v3, v2;
	_ =	sdelay $0x1  }
0x42: {  	v0 =	vadd.f32 v0, v1  }
0x43: {  	s18 =	simm.s32 $0xC100  }
0x44: {  	s20 =	simm.s32 $0x100;
	[tilespmem:s18+$0x0] =	vst v0  }
0x45: {  	v0 =	vld [tilespmem:s20+$0x150]  }
0x46: {  	v4 =	vld [tilespmem:s20+$0x1E0]  }
0x47: {  	v5 =	vld [tilespmem:s20+$0x61E0]  }
0x48: {  	v1 =	vld [tilespmem:s20+$0x130]  }
0x49: {  	v6 =	vld [tilespmem:s20+$0x180]  }
0x4a: {  	v9 =	vld [tilespmem:s20+$0x6180]  }
0x4b: {  	v8 =	vld [tilespmem:s20+$0x1B0]  }
0x4c: {  	v12 =	vld [tilespmem:s20+$0x61B0]  }
0x4d: {  	v2 =	vld [tilespmem:s20+$0x1D0]  }
0x4e: {  	v3 =	vld [tilespmem:s20+$0x61D0]  }
0x4f: {  	v10 =	vld [tilespmem:s20+$0x170]  }
0x50: {  	v13 =	vld [tilespmem:s20+$0x6170]  }
0x51: {  	v7 =	vld [tilespmem:s20+$0x1A0]  }
0x52: {  	v11 =	vld [tilespmem:s20+$0x61A0]  }
0x53: {  	v14 =	vld [tilespmem:s20+$0x1C0]  }
0x54: {  	v15 =	vld [tilespmem:s20+$0x160]  }
0x55: {  	v16 =	vld [tilespmem:s20+$0x6160]  }
0x56: {  	p0 =	por p1, p1;
	s19 =	simm.s32 $0x800;
	v17 =	vld [tilespmem:s20+$0x190]  }
.LBB2_3:
0x57: {  	p1 =	sne.s32 s19, $0x17C00;
	v18 =	vld [tilespmem:s20+$0x6190]  }
0x58: {  	v19 =	vld [tilespmem:s20+$0x61C0]  }
0x59: {  	v20 =	vld [tilespmem:s20+$0x100]  }
0x5a: {  	v4 =	vsub.f32 v4, v5;
	v21 =	vld [tilespmem:s20+$0x110]  }
0x5b: {  	v5 =	vsub.f32 v6, v9;
	v8 =	vsub.f32 v8, v12;
	v6 =	vld [tilespmem:s20+$0x140]  }
0x5c: {  	v12 =	vsub.f32 v15, v16;
	v9 =	vld [tilespmem:s20+$0x120];
	v15 =	vsub.f32 v17, v18  }
0x5d: {  	v10 =	vsub.f32 v10, v13;
	v13 =	vsub.f32 v14, v19  }
0x5e: {  	v7 =	vsub.f32 v7, v11;
	v12 =	vmul.f32 v12, v20;
	v14 =	vmul.f32 v15, v20  }
0x5f: {  	v2 =	vsub.f32 v2, v3;
	v10 =	vmul.f32 v10, v21;
	v11 =	vmul.f32 v13, v20  }
0x60: {  	v1 =	vadd.f32 v12, v1;
	v3 =	vadd.f32 v14, v6;
	v6 =	vmul.f32 v7, v21  }
0x61: {  	v2 =	vmul.f32 v2, v21;
	v5 =	vmul.f32 v5, v9;
	v0 =	vadd.f32 v11, v0  }
0x62: {  	v1 =	vadd.f32 v10, v1;
	v3 =	vadd.f32 v6, v3;
	v6 =	vmul.f32 v8, v9  }
0x63: {  	v0 =	vadd.f32 v2, v0  }
0x64: {  	v1 =	vadd.f32 v5, v1;
	v2 =	vadd.f32 v6, v3;
	v3 =	vmul.f32 v4, v9;
	_ =	sdelay $0x1  }
0x65: {  	v1 =	vmul.f32 v1, v1;
	v2 =	vmul.f32 v2, v2;
	v0 =	vadd.f32 v3, v0;
	_ =	sdelay $0x1  }
0x66: {  	v1 =	vadd.f32 v2, v1;
	v0 =	vmul.f32 v0, v0;
	_ =	sdelay $0x1  }
0x67: {  	v0 =	vadd.f32 v0, v1  }
0x68: {  	s18 =	sadd.s32 $0x80, s18  }
0x69: {  	s20 =	sshra.s32 s19, $0x2;
	[tilespmem:s18+$0x0] =	vst v0  }
0x6a: {  	v0 =	vld [tilespmem:s20+$0x150]  }
0x6b: {  	v4 =	vld [tilespmem:s20+$0x1E0]  }
0x6c: {  	v5 =	vld [tilespmem:s20+$0x61E0]  }
0x6d: {  	v1 =	vld [tilespmem:s20+$0x130]  }
0x6e: {  	v6 =	vld [tilespmem:s20+$0x180]  }
0x6f: {  	v9 =	vld [tilespmem:s20+$0x6180]  }
0x70: {  	v8 =	vld [tilespmem:s20+$0x1B0]  }
0x71: {  	v12 =	vld [tilespmem:s20+$0x61B0]  }
0x72: {  	v2 =	vld [tilespmem:s20+$0x1D0]  }
0x73: {  	v3 =	vld [tilespmem:s20+$0x61D0]  }
0x74: {  	v10 =	vld [tilespmem:s20+$0x170]  }
0x75: {  	v13 =	vld [tilespmem:s20+$0x6170]  }
0x76: {  	v7 =	vld [tilespmem:s20+$0x1A0]  }
.Ltmp0:
0x77: {  	v11 =	vld [tilespmem:s20+$0x61A0];
	(pc) =	sbr.rel @p1 .LBB2_3-.Ltmp0, $4  }
0x78: {  	v14 =	vld [tilespmem:s20+$0x1C0]  }
0x79: {  	v15 =	vld [tilespmem:s20+$0x160]  }
0x7a: {  	v16 =	vld [tilespmem:s20+$0x6160]  }
0x7b: {  	s19 =	sadd.s32 $0x400, s19;
	v17 =	vld [tilespmem:s20+$0x190]  }
0x7c: {  	v18 =	vld [tilespmem:s20+$0x6190]  }
0x7d: {  	v19 =	vld [tilespmem:s20+$0x61C0]  }
0x7e: {  	v20 =	vld [tilespmem:s20+$0x100]  }
0x7f: {  	v21 =	vld [tilespmem:s20+$0x110];
	v4 =	vsub.f32 v4, v5  }
0x80: {  	v51 =	vsub.f32 v6, v9;
	v52 =	vld [tilespmem:s20+$0x140];
	v8 =	vsub.f32 v8, v12  }
0x81: {  	v53 =	vld [tilespmem:s20+$0x120];
	v54 =	vsub.f32 v15, v16;
	v55 =	vsub.f32 v17, v18  }
0x82: {  	v10 =	vsub.f32 v10, v13;
	v56 =	vsub.f32 v14, v19  }
0x83: {  	v7 =	vsub.f32 v7, v11;
	v12 =	vmul.f32 v54, v20;
	v57 =	vmul.f32 v55, v20  }
0x84: {  	v2 =	vsub.f32 v2, v3;
	v10 =	vmul.f32 v10, v21;
	v58 =	vmul.f32 v56, v20  }
0x85: {  	v60 =	vmul.f32 v7, v21;
	v1 =	vadd.f32 v12, v1;
	v59 =	vadd.f32 v57, v52  }
0x86: {  	v5 =	vmul.f32 v51, v53;
	v2 =	vmul.f32 v2, v21;
	v0 =	vadd.f32 v58, v0  }
0x87: {  	v61 =	vmul.f32 v8, v53;
	v1 =	vadd.f32 v10, v1;
	v3 =	vadd.f32 v60, v59  }
0x88: {  	v0 =	vadd.f32 v2, v0  }
0x89: {  	v63 =	vmul.f32 v4, v53;
	v1 =	vadd.f32 v5, v1;
	v62 =	vadd.f32 v61, v3;
	_ =	sdelay $0x1  }
0x8a: {  	v1 =	vmul.f32 v1, v1;
	v0 =	vadd.f32 v63, v0;
	v2 =	vmul.f32 v62, v62;
	_ =	sdelay $0x1  }
0x8b: {  	v0 =	vmul.f32 v0, v0;
	v1 =	vadd.f32 v2, v1;
	_ =	sdelay $0x1  }
0x8c: {  	v0 =	vadd.f32 v0, v1  }
0x8d: {  	s18 =	sadd.s32 $0x80, s18;
	s17 =	sshll.u32 s17, $0x4  }
.Ltmp1:
0x8e: {  	s17 =	sadd.s32 s6, s17;
	[tilespmem:s18+$0x0] =	vst v0;
	(pc) =	sbr.rel @p0 .LBB2_2-.Ltmp1, $4  }
0x8f: {  	[hbm4b:s17+s1] =	stream.linear.scatter [tilespmem:s15], [sflag:$0x2], $0x3000, $0x38;
	[tilespmem:$0xF100] =	vst v63  }
0x90: {  	_ =	swait.ge [sflag:s9], $0x3000  }
0x91: {  	[sflag:s9] =	ssyncset.done $0x0  }
0x92: {  	p1 =	por $0x0, $0x0;
	s17 =	simm.s32 $0x60;
	[sflag:s9] =	ssyncadd.s32 $0xFFFFD000  }
0x93: {  	s16 =	sadd.s32 $0x1, s16  }
0x94: {  	p0 =	sne.s32 s16, s8  }
.Ltmp2:
0x95: {  	_ = 	snop;
	(pc) =	sbr.rel @p0 .LBB2_1-.Ltmp2, $1  }
0x96: {  	_ =	sdelay $0x3  }
0x97: {  	_ =	sfence.sel $0x180000  }
0x98: {  	[bflag:$0x0] =	sbarrier.arrive $0xFFFF  }
0x99: {  	p0 =	sne.s32 s2, $0x0;
	_ =	strace $0x90000047  }
0x9a: {  	s0 =	sadd.s32 @!p0 $0x100000, s0;
	[bflag:$0x2] =	sbarrier.arrive $0xFFFF  }
0x9b: {  	[sflag:s0] =	ssyncadd.tile.s32 @!p0 $0x1;
	_ =	shalt  }
.Lfunc_end2:
_tile_overlayer_lowered:
.L_overlay_start_2:
0x9c: {  	(tag) =	ssettag $0x2  }
0x9d: {  	s0 =	rddreg [dreg:$0x0];
	s2 =	stileid.u32  }
0x9e: {  	s1 =	rddreg [dreg:$0x1];
	p0 =	sne.s32 s2, $0x0  }
0x9f: {  	s3 =	rddreg [dreg:$0x2];
	[bflag:$0x3] =	sbarrier.arrive $0xFFFF;
	s2 =	simm.s32 @!p0 $0x1C02  }
0xa0: {  	[timem:s3], [sflag:s2] =	dma.local @!p0 [hbm:s0], s1  }
0xa1: {  	s0 =	simm.s32 @!p0 $0x2  }
0xa2: {  	_ =	swait.ge @!p0 [sflag:s0], s1  }
0xa3: {  	s1 =	ssub.s32 @!p0 $0x0, s1;
	[sflag:s0] =	ssyncset.done @!p0 $0x0  }
0xa4: {  	[sflag:s0] =	ssyncadd.s32 @!p0 s1  }
0xa5: {  	[bflag:$0x3] =	sbarrier.arrive $0xFFFF  }
0xa6: {  	_ =	shalt  }

</sc_bundles>
